<compile_context>
chip_gen: v7x
topology: tpu7x:2x2x1
jax: 0.10.2.dev20260603
libtpu: 0.0.44.dev20260713+nightly
codegen_flags: <defaults>
</compile_context>

<pallas_src>
import functools

import jax
import jax.numpy as jnp
from jax import lax
from jax.experimental import pallas as pl
from jax.experimental.pallas import tpu as pltpu
from jax.experimental.pallas import tpu_sc as plsc

B = 16384
D = 256
NC, NS = 2, 16
NW = NC * NS
IDX_MINOR = 64
ROWS_PER_W = B // NW
CHUNKS = ROWS_PER_W // IDX_MINOR
NBUF = min(6, CHUNKS)
BK = 4096


def _sc_gather(idx2, table):
    mesh = plsc.VectorSubcoreMesh(
        core_axis_name="c", subcore_axis_name="s",
        num_cores=NC, num_subcores=NS)

    @functools.partial(
        pl.kernel,
        mesh=mesh,
        out_type=jax.ShapeDtypeStruct((B, D), jnp.float32),
        scratch_types=(
            [pltpu.VMEM((CHUNKS, IDX_MINOR), jnp.int32)]
            + [pltpu.VMEM((IDX_MINOR, D), jnp.float32) for _ in range(NBUF)]
            + [pltpu.SemaphoreType.DMA for _ in range(2 * NBUF)]
        ),
    )
    def gather_k(idx_hbm, table_hbm, out_hbm, idx_v, *scratch):
        bufs = scratch[:NBUF]
        gsems = scratch[NBUF:2 * NBUF]
        osems = scratch[2 * NBUF:]
        wid = lax.axis_index("s") * NC + lax.axis_index("c")
        pltpu.sync_copy(idx_hbm.at[pl.ds(wid * CHUNKS, CHUNKS)], idx_v)
        gathers = [None] * CHUNKS
        outs = [None] * CHUNKS

        def fire_gather(j):
            k = j % NBUF
            gathers[j] = pltpu.async_copy(
                table_hbm.at[idx_v.at[j]], bufs[k], gsems[k])

        def fire_out(j):
            k = j % NBUF
            dst = out_hbm.at[pl.ds(wid * ROWS_PER_W + j * IDX_MINOR,
                                   IDX_MINOR)]
            outs[j] = pltpu.async_copy(bufs[k], dst, osems[k])

        for j in range(min(NBUF, CHUNKS)):
            fire_gather(j)
        for j in range(CHUNKS):
            gathers[j].wait()
            fire_out(j)
            nxt = j + NBUF
            if nxt < CHUNKS:
                outs[nxt - NBUF].wait()
                fire_gather(nxt)
        for j in range(max(0, CHUNKS - NBUF), CHUNKS):
            outs[j].wait()

    return gather_k(idx2, table)


def _dense_body(p_ref, v4_ref, w1_ref, wct_ref, w6_ref, b6_ref, y_ref):
    f32 = jnp.float32
    pb = p_ref[...]
    v1t = jnp.tanh(jnp.dot(w1_ref[...], pb, preferred_element_type=f32))
    rows = lax.broadcasted_iota(jnp.int32, (8, 1), 0).astype(f32)
    oh3t = (pb[3:4, :] == rows).astype(f32)
    oh4t = (pb[4:5, :] == rows).astype(f32)
    ones = pb[5:6, :]
    ut = jnp.concatenate([v1t, oh3t, oh4t[0:7, :], ones], axis=0)
    v5t = jnp.tanh(jnp.dot(wct_ref[...], ut, preferred_element_type=f32))
    y = (jnp.dot(v4_ref[...], w6_ref[0:D, :], preferred_element_type=f32)
         + lax.dot_general(v5t, w6_ref[D:2 * D, :],
                           (((0,), (0,)), ((), ())),
                           preferred_element_type=f32)
         + b6_ref[...])
    y_ref[...] = jnp.tanh(y)


def kernel(p1, p2, p5, p3, p4, p6, W1, b1, E2, E3, E4, W5, b5, W6, b6):
    f32 = jnp.float32
    W1e = jnp.zeros((8, 8), f32)
    W1e = W1e.at[:, 0:3].set(W1.T)
    W1e = W1e.at[:, 5].set(b1)
    hi = jax.lax.Precision.HIGHEST
    WcT = jnp.zeros((D, 24), f32)
    WcT = WcT.at[:, 0:8].set(W5[0:8, :].T)
    WcT = WcT.at[:, 8:8 + E2.shape[0]].set(
        jnp.dot(E2, W5[8:16, :], precision=hi).T)
    WcT = WcT.at[:, 16:16 + E3.shape[0]].set(
        jnp.dot(E3, W5[16:24, :], precision=hi).T)
    WcT = WcT.at[:, 23].set(b5)

    P = jnp.concatenate([
        p1.T, p2.T, p5.T,
        p3.astype(f32)[None, :], p4.astype(f32)[None, :],
        jnp.ones((1, B), f32), jnp.zeros((2, B), f32)], axis=0)

    idx2 = p6.astype(jnp.int32).reshape(B // IDX_MINOR, IDX_MINOR)
    v4 = _sc_gather(idx2, E4)

    rep = lambda i: (0, 0)
    y = pl.pallas_call(
        _dense_body,
        grid=(B // BK,),
        in_specs=[
            pl.BlockSpec((8, BK), lambda i: (0, i)),
            pl.BlockSpec((BK, D), lambda i: (i, 0)),
            pl.BlockSpec((8, 8), rep),
            pl.BlockSpec((D, 24), rep),
            pl.BlockSpec((2 * D, 128), rep),
            pl.BlockSpec((1, 128), rep),
        ],
        out_specs=pl.BlockSpec((BK, 128), lambda i: (i, 0)),
        out_shape=jax.ShapeDtypeStruct((B, 128), f32),
    )(P, v4, W1e, WcT, W6, b6[None, :])
    return y

# --- scband reference (transcript-rebuilt; emitter-appended) ---
"""Pipeline reference for scband-personality-66357244723486 (READ-ONLY COPY).

The authoritative reference and input builder live on the scoring server;
editing this copy changes nothing except your own understanding.
"""

import jax, jax.numpy as jnp
import numpy as np

B = 16384

def setup_inputs(seed: int = 0) -> dict:
    key = jax.random.key(seed)
    ks = jax.random.split(key, 16)
    p1 = jax.random.normal(ks[0], (B, 1), dtype=jnp.float32)
    p2 = jax.random.normal(ks[1], (B, 1), dtype=jnp.float32)
    p5 = jax.random.normal(ks[2], (B, 1), dtype=jnp.float32)
    p3 = jax.random.randint(ks[3], (B,), 0, 4)
    p4 = jax.random.randint(ks[4], (B,), 0, 3)
    p6 = jax.random.randint(ks[5], (B,), 0, 88829)
    W1 = jax.random.normal(ks[6], (3, 8), dtype=jnp.float32) * 0.1
    b1 = jnp.zeros((8,), dtype=jnp.float32)
    E2 = jax.random.normal(ks[7], (4, 8), dtype=jnp.float32) * 0.1
    E3 = jax.random.normal(ks[8], (3, 8), dtype=jnp.float32) * 0.1
    E4 = jax.random.normal(ks[9], (88829, 256), dtype=jnp.float32) * 0.02
    W5 = jax.random.normal(ks[10], (24, 256), dtype=jnp.float32) * 0.05
    b5 = jnp.zeros((256,), dtype=jnp.float32)
    W6 = jax.random.normal(ks[11], (512, 128), dtype=jnp.float32) * 0.05
    b6 = jnp.zeros((128,), dtype=jnp.float32)
    return {"p1": p1, "p2": p2, "p5": p5, "p3": p3, "p4": p4, "p6": p6,
            "W1": W1, "b1": b1, "E2": E2, "E3": E3, "E4": E4,
            "W5": W5, "b5": b5, "W6": W6, "b6": b6}

def reference(p1, p2, p5, p3, p4, p6, W1, b1, E2, E3, E4, W5, b5, W6, b6):
    # layer['1']: Linear(3,8) + Tanh on concatenated scalar features
    x = jnp.concatenate([p1, p2, p5], axis=1)
    v1 = jnp.tanh(x @ W1 + b1)
    # layer['2'], layer['3'], layer['4']: embedding lookups (gathers)
    v2 = jnp.take(E2, p3, axis=0)
    v3 = jnp.take(E3, p4, axis=0)
    v4 = jnp.take(E4, p6, axis=0)
    # layer['5']: Linear(24,256) + Tanh
    v5 = jnp.tanh(jnp.concatenate([v1, v2, v3], axis=1) @ W5 + b5)
    # layer['6']: Linear(512,128) + Tanh
    y = jnp.tanh(jnp.concatenate([v4, v5], axis=1) @ W6 + b6)
    return y

if __name__ == "__main__":
    import jax
    _d = setup_inputs()
    print(jax.jit(kernel)(*tuple(_d.values())))

</pallas_src>

<mosaic_0001>
#map = affine_map<(d0, d1) -> (0, 0)>
module attributes {stable_mosaic.version = 14 : i64} {
  func.func @gather_k(%arg0: i32, %arg1: i32, %arg2: memref<256x64xi32, #tpu.memory_space<hbm>>, %arg3: memref<88829x256xf32, #tpu.memory_space<hbm>>, %arg4: memref<16384x256xf32, #tpu.memory_space<hbm>>, %arg5: memref<8x64xi32, #tpu.memory_space<vmem>>, %arg6: memref<64x256xf32, #tpu.memory_space<vmem>>, %arg7: memref<64x256xf32, #tpu.memory_space<vmem>>, %arg8: memref<64x256xf32, #tpu.memory_space<vmem>>, %arg9: memref<64x256xf32, #tpu.memory_space<vmem>>, %arg10: memref<64x256xf32, #tpu.memory_space<vmem>>, %arg11: memref<64x256xf32, #tpu.memory_space<vmem>>, %arg12: memref<!tpu.dma_semaphore, #tpu.memory_space<semaphore_mem>>, %arg13: memref<!tpu.dma_semaphore, #tpu.memory_space<semaphore_mem>>, %arg14: memref<!tpu.dma_semaphore, #tpu.memory_space<semaphore_mem>>, %arg15: memref<!tpu.dma_semaphore, #tpu.memory_space<semaphore_mem>>, %arg16: memref<!tpu.dma_semaphore, #tpu.memory_space<semaphore_mem>>, %arg17: memref<!tpu.dma_semaphore, #tpu.memory_space<semaphore_mem>>, %arg18: memref<!tpu.dma_semaphore, #tpu.memory_space<semaphore_mem>>, %arg19: memref<!tpu.dma_semaphore, #tpu.memory_space<semaphore_mem>>, %arg20: memref<!tpu.dma_semaphore, #tpu.memory_space<semaphore_mem>>, %arg21: memref<!tpu.dma_semaphore, #tpu.memory_space<semaphore_mem>>, %arg22: memref<!tpu.dma_semaphore, #tpu.memory_space<semaphore_mem>>, %arg23: memref<!tpu.dma_semaphore, #tpu.memory_space<semaphore_mem>>) attributes {dimension_semantics = [#tpu.dimension_semantics<core_parallel>, #tpu.dimension_semantics<subcore_parallel>], iteration_bounds = array<i64: 2, 16>, scalar_prefetch = 0 : i64, scratch_operands = 19 : i64, tpu.core_type = #tpu.core_type<sc_vector_subcore>, window_params = [{transform_indices = #map}, {transform_indices = #map}, {transform_indices = #map}]} {
    %mul3A = arith.constant 2 : i32
    %mul3A_0 = arith.muli %arg1, %mul3A : i32
    %add3A = arith.addi %mul3A_0, %arg0 : i32
    %mul3A_1 = arith.constant 8 : i32
    %mul3A_2 = arith.muli %add3A, %mul3A_1 : i32
    "tpu.region"() ({
      %run_scoped3A = tpu.sem_alloc : memref<!tpu.dma_semaphore, #tpu.memory_space<semaphore_mem>>
      %dma_start3A_209 = arith.constant 0 : i32
      %dma_start3A_210 = tpu.memref_slice %arg2[%mul3A_2, %dma_start3A_209] : memref<256x64xi32, #tpu.memory_space<hbm>> -> memref<8x64xi32, #tpu.memory_space<hbm>>
      %dma_start3A_211 = arith.constant 0 : i32
      %dma_start3A_212 = tpu.memref_slice %arg2[%mul3A_2, %dma_start3A_211] : memref<256x64xi32, #tpu.memory_space<hbm>> -> memref<8x64xi32, #tpu.memory_space<hbm>>
      tpu.enqueue_dma source(%dma_start3A_212 : memref<8x64xi32, #tpu.memory_space<hbm>>) target(%arg5 : memref<8x64xi32, #tpu.memory_space<vmem>>) target_semaphore(%run_scoped3A : memref<!tpu.dma_semaphore, #tpu.memory_space<semaphore_mem>>)
      %dma_wait3A_213 = arith.constant 0 : i32
      %dma_wait3A_214 = tpu.memref_slice %arg2[%mul3A_2, %dma_wait3A_213] : memref<256x64xi32, #tpu.memory_space<hbm>> -> memref<8x64xi32, #tpu.memory_space<hbm>>
      %dma_wait3A_215 = arith.constant 0 : i32
      %dma_wait3A_216 = tpu.memref_slice %arg2[%mul3A_2, %dma_wait3A_215] : memref<256x64xi32, #tpu.memory_space<hbm>> -> memref<8x64xi32, #tpu.memory_space<hbm>>
      tpu.wait_dma2 semaphore(%run_scoped3A : memref<!tpu.dma_semaphore, #tpu.memory_space<semaphore_mem>>) src(%dma_wait3A_216 : memref<8x64xi32, #tpu.memory_space<hbm>>) dst(%arg5 : memref<8x64xi32, #tpu.memory_space<vmem>>)
      tpu.yield
    }) : () -> ()
    %dma_start3A = arith.constant 0 : i32
    %dma_start3A_3 = arith.constant 0 : i32
    %dma_start3A_4 = tpu.memref_slice %arg5[%dma_start3A, %dma_start3A_3] : memref<8x64xi32, #tpu.memory_space<vmem>> -> memref<1x64xi32, #tpu.memory_space<vmem>>
    %dma_start3A_5 = tpu.memref_squeeze %dma_start3A_4 : memref<1x64xi32, #tpu.memory_space<vmem>> -> memref<64xi32, #tpu.memory_space<vmem>>
    %dma_start3A_6 = arith.constant 0 : i32
    %dma_start3A_7 = arith.constant 0 : i32
    %dma_start3A_8 = tpu.memref_slice %arg3[%dma_start3A_6, %dma_start3A_7] : memref<88829x256xf32, #tpu.memory_space<hbm>> -> memref<88829x256xf32, #tpu.memory_space<hbm>>
    tpu.enqueue_indirect_dma source(%dma_start3A_8 : memref<88829x256xf32, #tpu.memory_space<hbm>>) target(%arg6 : memref<64x256xf32, #tpu.memory_space<vmem>>) offsets(%dma_start3A_5 : memref<64xi32, #tpu.memory_space<vmem>>) semaphore(%arg12 : memref<!tpu.dma_semaphore, #tpu.memory_space<semaphore_mem>>)
    %dma_start3A_9 = arith.constant 1 : i32
    %dma_start3A_10 = arith.constant 0 : i32
    %dma_start3A_11 = tpu.memref_slice %arg5[%dma_start3A_9, %dma_start3A_10] : memref<8x64xi32, #tpu.memory_space<vmem>> -> memref<1x64xi32, #tpu.memory_space<vmem>>
    %dma_start3A_12 = tpu.memref_squeeze %dma_start3A_11 : memref<1x64xi32, #tpu.memory_space<vmem>> -> memref<64xi32, #tpu.memory_space<vmem>>
    %dma_start3A_13 = arith.constant 0 : i32
    %dma_start3A_14 = arith.constant 0 : i32
    %dma_start3A_15 = tpu.memref_slice %arg3[%dma_start3A_13, %dma_start3A_14] : memref<88829x256xf32, #tpu.memory_space<hbm>> -> memref<88829x256xf32, #tpu.memory_space<hbm>>
    tpu.enqueue_indirect_dma source(%dma_start3A_15 : memref<88829x256xf32, #tpu.memory_space<hbm>>) target(%arg7 : memref<64x256xf32, #tpu.memory_space<vmem>>) offsets(%dma_start3A_12 : memref<64xi32, #tpu.memory_space<vmem>>) semaphore(%arg13 : memref<!tpu.dma_semaphore, #tpu.memory_space<semaphore_mem>>)
    %dma_start3A_16 = arith.constant 2 : i32
    %dma_start3A_17 = arith.constant 0 : i32
    %dma_start3A_18 = tpu.memref_slice %arg5[%dma_start3A_16, %dma_start3A_17] : memref<8x64xi32, #tpu.memory_space<vmem>> -> memref<1x64xi32, #tpu.memory_space<vmem>>
    %dma_start3A_19 = tpu.memref_squeeze %dma_start3A_18 : memref<1x64xi32, #tpu.memory_space<vmem>> -> memref<64xi32, #tpu.memory_space<vmem>>
    %dma_start3A_20 = arith.constant 0 : i32
    %dma_start3A_21 = arith.constant 0 : i32
    %dma_start3A_22 = tpu.memref_slice %arg3[%dma_start3A_20, %dma_start3A_21] : memref<88829x256xf32, #tpu.memory_space<hbm>> -> memref<88829x256xf32, #tpu.memory_space<hbm>>
    tpu.enqueue_indirect_dma source(%dma_start3A_22 : memref<88829x256xf32, #tpu.memory_space<hbm>>) target(%arg8 : memref<64x256xf32, #tpu.memory_space<vmem>>) offsets(%dma_start3A_19 : memref<64xi32, #tpu.memory_space<vmem>>) semaphore(%arg14 : memref<!tpu.dma_semaphore, #tpu.memory_space<semaphore_mem>>)
    %dma_start3A_23 = arith.constant 3 : i32
    %dma_start3A_24 = arith.constant 0 : i32
    %dma_start3A_25 = tpu.memref_slice %arg5[%dma_start3A_23, %dma_start3A_24] : memref<8x64xi32, #tpu.memory_space<vmem>> -> memref<1x64xi32, #tpu.memory_space<vmem>>
    %dma_start3A_26 = tpu.memref_squeeze %dma_start3A_25 : memref<1x64xi32, #tpu.memory_space<vmem>> -> memref<64xi32, #tpu.memory_space<vmem>>
    %dma_start3A_27 = arith.constant 0 : i32
    %dma_start3A_28 = arith.constant 0 : i32
    %dma_start3A_29 = tpu.memref_slice %arg3[%dma_start3A_27, %dma_start3A_28] : memref<88829x256xf32, #tpu.memory_space<hbm>> -> memref<88829x256xf32, #tpu.memory_space<hbm>>
    tpu.enqueue_indirect_dma source(%dma_start3A_29 : memref<88829x256xf32, #tpu.memory_space<hbm>>) target(%arg9 : memref<64x256xf32, #tpu.memory_space<vmem>>) offsets(%dma_start3A_26 : memref<64xi32, #tpu.memory_space<vmem>>) semaphore(%arg15 : memref<!tpu.dma_semaphore, #tpu.memory_space<semaphore_mem>>)
    %dma_start3A_30 = arith.constant 4 : i32
    %dma_start3A_31 = arith.constant 0 : i32
    %dma_start3A_32 = tpu.memref_slice %arg5[%dma_start3A_30, %dma_start3A_31] : memref<8x64xi32, #tpu.memory_space<vmem>> -> memref<1x64xi32, #tpu.memory_space<vmem>>
    %dma_start3A_33 = tpu.memref_squeeze %dma_start3A_32 : memref<1x64xi32, #tpu.memory_space<vmem>> -> memref<64xi32, #tpu.memory_space<vmem>>
    %dma_start3A_34 = arith.constant 0 : i32
    %dma_start3A_35 = arith.constant 0 : i32
    %dma_start3A_36 = tpu.memref_slice %arg3[%dma_start3A_34, %dma_start3A_35] : memref<88829x256xf32, #tpu.memory_space<hbm>> -> memref<88829x256xf32, #tpu.memory_space<hbm>>
    tpu.enqueue_indirect_dma source(%dma_start3A_36 : memref<88829x256xf32, #tpu.memory_space<hbm>>) target(%arg10 : memref<64x256xf32, #tpu.memory_space<vmem>>) offsets(%dma_start3A_33 : memref<64xi32, #tpu.memory_space<vmem>>) semaphore(%arg16 : memref<!tpu.dma_semaphore, #tpu.memory_space<semaphore_mem>>)
    %dma_start3A_37 = arith.constant 5 : i32
    %dma_start3A_38 = arith.constant 0 : i32
    %dma_start3A_39 = tpu.memref_slice %arg5[%dma_start3A_37, %dma_start3A_38] : memref<8x64xi32, #tpu.memory_space<vmem>> -> memref<1x64xi32, #tpu.memory_space<vmem>>
    %dma_start3A_40 = tpu.memref_squeeze %dma_start3A_39 : memref<1x64xi32, #tpu.memory_space<vmem>> -> memref<64xi32, #tpu.memory_space<vmem>>
    %dma_start3A_41 = arith.constant 0 : i32
    %dma_start3A_42 = arith.constant 0 : i32
    %dma_start3A_43 = tpu.memref_slice %arg3[%dma_start3A_41, %dma_start3A_42] : memref<88829x256xf32, #tpu.memory_space<hbm>> -> memref<88829x256xf32, #tpu.memory_space<hbm>>
    tpu.enqueue_indirect_dma source(%dma_start3A_43 : memref<88829x256xf32, #tpu.memory_space<hbm>>) target(%arg11 : memref<64x256xf32, #tpu.memory_space<vmem>>) offsets(%dma_start3A_40 : memref<64xi32, #tpu.memory_space<vmem>>) semaphore(%arg17 : memref<!tpu.dma_semaphore, #tpu.memory_space<semaphore_mem>>)
    %dma_wait3A = arith.constant 0 : i32
    %dma_wait3A_44 = arith.constant 0 : i32
    %dma_wait3A_45 = tpu.memref_slice %arg5[%dma_wait3A, %dma_wait3A_44] : memref<8x64xi32, #tpu.memory_space<vmem>> -> memref<1x64xi32, #tpu.memory_space<vmem>>
    %dma_wait3A_46 = tpu.memref_squeeze %dma_wait3A_45 : memref<1x64xi32, #tpu.memory_space<vmem>> -> memref<64xi32, #tpu.memory_space<vmem>>
    %dma_wait3A_47 = arith.constant 0 : i32
    %dma_wait3A_48 = arith.constant 0 : i32
    %dma_wait3A_49 = tpu.memref_slice %arg3[%dma_wait3A_47, %dma_wait3A_48] : memref<88829x256xf32, #tpu.memory_space<hbm>> -> memref<88829x256xf32, #tpu.memory_space<hbm>>
    tpu.wait_indirect_dma semaphore(%arg12 : memref<!tpu.dma_semaphore, #tpu.memory_space<semaphore_mem>>) src(%dma_wait3A_49 : memref<88829x256xf32, #tpu.memory_space<hbm>>) dst(%arg6 : memref<64x256xf32, #tpu.memory_space<vmem>>)
    %mul3A_50 = arith.constant 512 : i32
    %mul3A_51 = arith.muli %add3A, %mul3A_50 : i32
    %add3A_52 = arith.constant 0 : i32
    %add3A_53 = arith.addi %mul3A_51, %add3A_52 : i32
    %dma_start3A_54 = arith.constant 0 : i32
    %dma_start3A_55 = tpu.memref_slice %arg4[%add3A_53, %dma_start3A_54] : memref<16384x256xf32, #tpu.memory_space<hbm>> -> memref<64x256xf32, #tpu.memory_space<hbm>>
    %dma_start3A_56 = arith.constant 0 : i32
    %dma_start3A_57 = tpu.memref_slice %arg4[%add3A_53, %dma_start3A_56] : memref<16384x256xf32, #tpu.memory_space<hbm>> -> memref<64x256xf32, #tpu.memory_space<hbm>>
    tpu.enqueue_dma source(%arg6 : memref<64x256xf32, #tpu.memory_space<vmem>>) target(%dma_start3A_57 : memref<64x256xf32, #tpu.memory_space<hbm>>) target_semaphore(%arg18 : memref<!tpu.dma_semaphore, #tpu.memory_space<semaphore_mem>>)
    %dma_wait3A_58 = arith.constant 0 : i32
    %dma_wait3A_59 = tpu.memref_slice %arg4[%add3A_53, %dma_wait3A_58] : memref<16384x256xf32, #tpu.memory_space<hbm>> -> memref<64x256xf32, #tpu.memory_space<hbm>>
    %dma_wait3A_60 = arith.constant 0 : i32
    %dma_wait3A_61 = tpu.memref_slice %arg4[%add3A_53, %dma_wait3A_60] : memref<16384x256xf32, #tpu.memory_space<hbm>> -> memref<64x256xf32, #tpu.memory_space<hbm>>
    tpu.wait_dma2 semaphore(%arg18 : memref<!tpu.dma_semaphore, #tpu.memory_space<semaphore_mem>>) src(%arg6 : memref<64x256xf32, #tpu.memory_space<vmem>>) dst(%dma_wait3A_61 : memref<64x256xf32, #tpu.memory_space<hbm>>)
    %dma_start3A_62 = arith.constant 6 : i32
    %dma_start3A_63 = arith.constant 0 : i32
    %dma_start3A_64 = tpu.memref_slice %arg5[%dma_start3A_62, %dma_start3A_63] : memref<8x64xi32, #tpu.memory_space<vmem>> -> memref<1x64xi32, #tpu.memory_space<vmem>>
    %dma_start3A_65 = tpu.memref_squeeze %dma_start3A_64 : memref<1x64xi32, #tpu.memory_space<vmem>> -> memref<64xi32, #tpu.memory_space<vmem>>
    %dma_start3A_66 = arith.constant 0 : i32
    %dma_start3A_67 = arith.constant 0 : i32
    %dma_start3A_68 = tpu.memref_slice %arg3[%dma_start3A_66, %dma_start3A_67] : memref<88829x256xf32, #tpu.memory_space<hbm>> -> memref<88829x256xf32, #tpu.memory_space<hbm>>
    tpu.enqueue_indirect_dma source(%dma_start3A_68 : memref<88829x256xf32, #tpu.memory_space<hbm>>) target(%arg6 : memref<64x256xf32, #tpu.memory_space<vmem>>) offsets(%dma_start3A_65 : memref<64xi32, #tpu.memory_space<vmem>>) semaphore(%arg12 : memref<!tpu.dma_semaphore, #tpu.memory_space<semaphore_mem>>)
    %dma_wait3A_69 = arith.constant 1 : i32
    %dma_wait3A_70 = arith.constant 0 : i32
    %dma_wait3A_71 = tpu.memref_slice %arg5[%dma_wait3A_69, %dma_wait3A_70] : memref<8x64xi32, #tpu.memory_space<vmem>> -> memref<1x64xi32, #tpu.memory_space<vmem>>
    %dma_wait3A_72 = tpu.memref_squeeze %dma_wait3A_71 : memref<1x64xi32, #tpu.memory_space<vmem>> -> memref<64xi32, #tpu.memory_space<vmem>>
    %dma_wait3A_73 = arith.constant 0 : i32
    %dma_wait3A_74 = arith.constant 0 : i32
    %dma_wait3A_75 = tpu.memref_slice %arg3[%dma_wait3A_73, %dma_wait3A_74] : memref<88829x256xf32, #tpu.memory_space<hbm>> -> memref<88829x256xf32, #tpu.memory_space<hbm>>
    tpu.wait_indirect_dma semaphore(%arg13 : memref<!tpu.dma_semaphore, #tpu.memory_space<semaphore_mem>>) src(%dma_wait3A_75 : memref<88829x256xf32, #tpu.memory_space<hbm>>) dst(%arg7 : memref<64x256xf32, #tpu.memory_space<vmem>>)
    %mul3A_76 = arith.constant 512 : i32
    %mul3A_77 = arith.muli %add3A, %mul3A_76 : i32
    %add3A_78 = arith.constant 64 : i32
    %add3A_79 = arith.addi %mul3A_77, %add3A_78 : i32
    %dma_start3A_80 = arith.constant 0 : i32
    %dma_start3A_81 = tpu.memref_slice %arg4[%add3A_79, %dma_start3A_80] : memref<16384x256xf32, #tpu.memory_space<hbm>> -> memref<64x256xf32, #tpu.memory_space<hbm>>
    %dma_start3A_82 = arith.constant 0 : i32
    %dma_start3A_83 = tpu.memref_slice %arg4[%add3A_79, %dma_start3A_82] : memref<16384x256xf32, #tpu.memory_space<hbm>> -> memref<64x256xf32, #tpu.memory_space<hbm>>
    tpu.enqueue_dma source(%arg7 : memref<64x256xf32, #tpu.memory_space<vmem>>) target(%dma_start3A_83 : memref<64x256xf32, #tpu.memory_space<hbm>>) target_semaphore(%arg19 : memref<!tpu.dma_semaphore, #tpu.memory_space<semaphore_mem>>)
    %dma_wait3A_84 = arith.constant 0 : i32
    %dma_wait3A_85 = tpu.memref_slice %arg4[%add3A_79, %dma_wait3A_84] : memref<16384x256xf32, #tpu.memory_space<hbm>> -> memref<64x256xf32, #tpu.memory_space<hbm>>
    %dma_wait3A_86 = arith.constant 0 : i32
    %dma_wait3A_87 = tpu.memref_slice %arg4[%add3A_79, %dma_wait3A_86] : memref<16384x256xf32, #tpu.memory_space<hbm>> -> memref<64x256xf32, #tpu.memory_space<hbm>>
    tpu.wait_dma2 semaphore(%arg19 : memref<!tpu.dma_semaphore, #tpu.memory_space<semaphore_mem>>) src(%arg7 : memref<64x256xf32, #tpu.memory_space<vmem>>) dst(%dma_wait3A_87 : memref<64x256xf32, #tpu.memory_space<hbm>>)
    %dma_start3A_88 = arith.constant 7 : i32
    %dma_start3A_89 = arith.constant 0 : i32
    %dma_start3A_90 = tpu.memref_slice %arg5[%dma_start3A_88, %dma_start3A_89] : memref<8x64xi32, #tpu.memory_space<vmem>> -> memref<1x64xi32, #tpu.memory_space<vmem>>
    %dma_start3A_91 = tpu.memref_squeeze %dma_start3A_90 : memref<1x64xi32, #tpu.memory_space<vmem>> -> memref<64xi32, #tpu.memory_space<vmem>>
    %dma_start3A_92 = arith.constant 0 : i32
    %dma_start3A_93 = arith.constant 0 : i32
    %dma_start3A_94 = tpu.memref_slice %arg3[%dma_start3A_92, %dma_start3A_93] : memref<88829x256xf32, #tpu.memory_space<hbm>> -> memref<88829x256xf32, #tpu.memory_space<hbm>>
    tpu.enqueue_indirect_dma source(%dma_start3A_94 : memref<88829x256xf32, #tpu.memory_space<hbm>>) target(%arg7 : memref<64x256xf32, #tpu.memory_space<vmem>>) offsets(%dma_start3A_91 : memref<64xi32, #tpu.memory_space<vmem>>) semaphore(%arg13 : memref<!tpu.dma_semaphore, #tpu.memory_space<semaphore_mem>>)
    %dma_wait3A_95 = arith.constant 2 : i32
    %dma_wait3A_96 = arith.constant 0 : i32
    %dma_wait3A_97 = tpu.memref_slice %arg5[%dma_wait3A_95, %dma_wait3A_96] : memref<8x64xi32, #tpu.memory_space<vmem>> -> memref<1x64xi32, #tpu.memory_space<vmem>>
    %dma_wait3A_98 = tpu.memref_squeeze %dma_wait3A_97 : memref<1x64xi32, #tpu.memory_space<vmem>> -> memref<64xi32, #tpu.memory_space<vmem>>
    %dma_wait3A_99 = arith.constant 0 : i32
    %dma_wait3A_100 = arith.constant 0 : i32
    %dma_wait3A_101 = tpu.memref_slice %arg3[%dma_wait3A_99, %dma_wait3A_100] : memref<88829x256xf32, #tpu.memory_space<hbm>> -> memref<88829x256xf32, #tpu.memory_space<hbm>>
    tpu.wait_indirect_dma semaphore(%arg14 : memref<!tpu.dma_semaphore, #tpu.memory_space<semaphore_mem>>) src(%dma_wait3A_101 : memref<88829x256xf32, #tpu.memory_space<hbm>>) dst(%arg8 : memref<64x256xf32, #tpu.memory_space<vmem>>)
    %mul3A_102 = arith.constant 512 : i32
    %mul3A_103 = arith.muli %add3A, %mul3A_102 : i32
    %add3A_104 = arith.constant 128 : i32
    %add3A_105 = arith.addi %mul3A_103, %add3A_104 : i32
    %dma_start3A_106 = arith.constant 0 : i32
    %dma_start3A_107 = tpu.memref_slice %arg4[%add3A_105, %dma_start3A_106] : memref<16384x256xf32, #tpu.memory_space<hbm>> -> memref<64x256xf32, #tpu.memory_space<hbm>>
    %dma_start3A_108 = arith.constant 0 : i32
    %dma_start3A_109 = tpu.memref_slice %arg4[%add3A_105, %dma_start3A_108] : memref<16384x256xf32, #tpu.memory_space<hbm>> -> memref<64x256xf32, #tpu.memory_space<hbm>>
    tpu.enqueue_dma source(%arg8 : memref<64x256xf32, #tpu.memory_space<vmem>>) target(%dma_start3A_109 : memref<64x256xf32, #tpu.memory_space<hbm>>) target_semaphore(%arg20 : memref<!tpu.dma_semaphore, #tpu.memory_space<semaphore_mem>>)
    %dma_wait3A_110 = arith.constant 3 : i32
    %dma_wait3A_111 = arith.constant 0 : i32
    %dma_wait3A_112 = tpu.memref_slice %arg5[%dma_wait3A_110, %dma_wait3A_111] : memref<8x64xi32, #tpu.memory_space<vmem>> -> memref<1x64xi32, #tpu.memory_space<vmem>>
    %dma_wait3A_113 = tpu.memref_squeeze %dma_wait3A_112 : memref<1x64xi32, #tpu.memory_space<vmem>> -> memref<64xi32, #tpu.memory_space<vmem>>
    %dma_wait3A_114 = arith.constant 0 : i32
    %dma_wait3A_115 = arith.constant 0 : i32
    %dma_wait3A_116 = tpu.memref_slice %arg3[%dma_wait3A_114, %dma_wait3A_115] : memref<88829x256xf32, #tpu.memory_space<hbm>> -> memref<88829x256xf32, #tpu.memory_space<hbm>>
    tpu.wait_indirect_dma semaphore(%arg15 : memref<!tpu.dma_semaphore, #tpu.memory_space<semaphore_mem>>) src(%dma_wait3A_116 : memref<88829x256xf32, #tpu.memory_space<hbm>>) dst(%arg9 : memref<64x256xf32, #tpu.memory_space<vmem>>)
    %mul3A_117 = arith.constant 512 : i32
    %mul3A_118 = arith.muli %add3A, %mul3A_117 : i32
    %add3A_119 = arith.constant 192 : i32
    %add3A_120 = arith.addi %mul3A_118, %add3A_119 : i32
    %dma_start3A_121 = arith.constant 0 : i32
    %dma_start3A_122 = tpu.memref_slice %arg4[%add3A_120, %dma_start3A_121] : memref<16384x256xf32, #tpu.memory_space<hbm>> -> memref<64x256xf32, #tpu.memory_space<hbm>>
    %dma_start3A_123 = arith.constant 0 : i32
    %dma_start3A_124 = tpu.memref_slice %arg4[%add3A_120, %dma_start3A_123] : memref<16384x256xf32, #tpu.memory_space<hbm>> -> memref<64x256xf32, #tpu.memory_space<hbm>>
    tpu.enqueue_dma source(%arg9 : memref<64x256xf32, #tpu.memory_space<vmem>>) target(%dma_start3A_124 : memref<64x256xf32, #tpu.memory_space<hbm>>) target_semaphore(%arg21 : memref<!tpu.dma_semaphore, #tpu.memory_space<semaphore_mem>>)
    %dma_wait3A_125 = arith.constant 4 : i32
    %dma_wait3A_126 = arith.constant 0 : i32
    %dma_wait3A_127 = tpu.memref_slice %arg5[%dma_wait3A_125, %dma_wait3A_126] : memref<8x64xi32, #tpu.memory_space<vmem>> -> memref<1x64xi32, #tpu.memory_space<vmem>>
    %dma_wait3A_128 = tpu.memref_squeeze %dma_wait3A_127 : memref<1x64xi32, #tpu.memory_space<vmem>> -> memref<64xi32, #tpu.memory_space<vmem>>
    %dma_wait3A_129 = arith.constant 0 : i32
    %dma_wait3A_130 = arith.constant 0 : i32
    %dma_wait3A_131 = tpu.memref_slice %arg3[%dma_wait3A_129, %dma_wait3A_130] : memref<88829x256xf32, #tpu.memory_space<hbm>> -> memref<88829x256xf32, #tpu.memory_space<hbm>>
    tpu.wait_indirect_dma semaphore(%arg16 : memref<!tpu.dma_semaphore, #tpu.memory_space<semaphore_mem>>) src(%dma_wait3A_131 : memref<88829x256xf32, #tpu.memory_space<hbm>>) dst(%arg10 : memref<64x256xf32, #tpu.memory_space<vmem>>)
    %mul3A_132 = arith.constant 512 : i32
    %mul3A_133 = arith.muli %add3A, %mul3A_132 : i32
    %add3A_134 = arith.constant 256 : i32
    %add3A_135 = arith.addi %mul3A_133, %add3A_134 : i32
    %dma_start3A_136 = arith.constant 0 : i32
    %dma_start3A_137 = tpu.memref_slice %arg4[%add3A_135, %dma_start3A_136] : memref<16384x256xf32, #tpu.memory_space<hbm>> -> memref<64x256xf32, #tpu.memory_space<hbm>>
    %dma_start3A_138 = arith.constant 0 : i32
    %dma_start3A_139 = tpu.memref_slice %arg4[%add3A_135, %dma_start3A_138] : memref<16384x256xf32, #tpu.memory_space<hbm>> -> memref<64x256xf32, #tpu.memory_space<hbm>>
    tpu.enqueue_dma source(%arg10 : memref<64x256xf32, #tpu.memory_space<vmem>>) target(%dma_start3A_139 : memref<64x256xf32, #tpu.memory_space<hbm>>) target_semaphore(%arg22 : memref<!tpu.dma_semaphore, #tpu.memory_space<semaphore_mem>>)
    %dma_wait3A_140 = arith.constant 5 : i32
    %dma_wait3A_141 = arith.constant 0 : i32
    %dma_wait3A_142 = tpu.memref_slice %arg5[%dma_wait3A_140, %dma_wait3A_141] : memref<8x64xi32, #tpu.memory_space<vmem>> -> memref<1x64xi32, #tpu.memory_space<vmem>>
    %dma_wait3A_143 = tpu.memref_squeeze %dma_wait3A_142 : memref<1x64xi32, #tpu.memory_space<vmem>> -> memref<64xi32, #tpu.memory_space<vmem>>
    %dma_wait3A_144 = arith.constant 0 : i32
    %dma_wait3A_145 = arith.constant 0 : i32
    %dma_wait3A_146 = tpu.memref_slice %arg3[%dma_wait3A_144, %dma_wait3A_145] : memref<88829x256xf32, #tpu.memory_space<hbm>> -> memref<88829x256xf32, #tpu.memory_space<hbm>>
    tpu.wait_indirect_dma semaphore(%arg17 : memref<!tpu.dma_semaphore, #tpu.memory_space<semaphore_mem>>) src(%dma_wait3A_146 : memref<88829x256xf32, #tpu.memory_space<hbm>>) dst(%arg11 : memref<64x256xf32, #tpu.memory_space<vmem>>)
    %mul3A_147 = arith.constant 512 : i32
    %mul3A_148 = arith.muli %add3A, %mul3A_147 : i32
    %add3A_149 = arith.constant 320 : i32
    %add3A_150 = arith.addi %mul3A_148, %add3A_149 : i32
    %dma_start3A_151 = arith.constant 0 : i32
    %dma_start3A_152 = tpu.memref_slice %arg4[%add3A_150, %dma_start3A_151] : memref<16384x256xf32, #tpu.memory_space<hbm>> -> memref<64x256xf32, #tpu.memory_space<hbm>>
    %dma_start3A_153 = arith.constant 0 : i32
    %dma_start3A_154 = tpu.memref_slice %arg4[%add3A_150, %dma_start3A_153] : memref<16384x256xf32, #tpu.memory_space<hbm>> -> memref<64x256xf32, #tpu.memory_space<hbm>>
    tpu.enqueue_dma source(%arg11 : memref<64x256xf32, #tpu.memory_space<vmem>>) target(%dma_start3A_154 : memref<64x256xf32, #tpu.memory_space<hbm>>) target_semaphore(%arg23 : memref<!tpu.dma_semaphore, #tpu.memory_space<semaphore_mem>>)
    %dma_wait3A_155 = arith.constant 6 : i32
    %dma_wait3A_156 = arith.constant 0 : i32
    %dma_wait3A_157 = tpu.memref_slice %arg5[%dma_wait3A_155, %dma_wait3A_156] : memref<8x64xi32, #tpu.memory_space<vmem>> -> memref<1x64xi32, #tpu.memory_space<vmem>>
    %dma_wait3A_158 = tpu.memref_squeeze %dma_wait3A_157 : memref<1x64xi32, #tpu.memory_space<vmem>> -> memref<64xi32, #tpu.memory_space<vmem>>
    %dma_wait3A_159 = arith.constant 0 : i32
    %dma_wait3A_160 = arith.constant 0 : i32
    %dma_wait3A_161 = tpu.memref_slice %arg3[%dma_wait3A_159, %dma_wait3A_160] : memref<88829x256xf32, #tpu.memory_space<hbm>> -> memref<88829x256xf32, #tpu.memory_space<hbm>>
    tpu.wait_indirect_dma semaphore(%arg12 : memref<!tpu.dma_semaphore, #tpu.memory_space<semaphore_mem>>) src(%dma_wait3A_161 : memref<88829x256xf32, #tpu.memory_space<hbm>>) dst(%arg6 : memref<64x256xf32, #tpu.memory_space<vmem>>)
    %mul3A_162 = arith.constant 512 : i32
    %mul3A_163 = arith.muli %add3A, %mul3A_162 : i32
    %add3A_164 = arith.constant 384 : i32
    %add3A_165 = arith.addi %mul3A_163, %add3A_164 : i32
    %dma_start3A_166 = arith.constant 0 : i32
    %dma_start3A_167 = tpu.memref_slice %arg4[%add3A_165, %dma_start3A_166] : memref<16384x256xf32, #tpu.memory_space<hbm>> -> memref<64x256xf32, #tpu.memory_space<hbm>>
    %dma_start3A_168 = arith.constant 0 : i32
    %dma_start3A_169 = tpu.memref_slice %arg4[%add3A_165, %dma_start3A_168] : memref<16384x256xf32, #tpu.memory_space<hbm>> -> memref<64x256xf32, #tpu.memory_space<hbm>>
    tpu.enqueue_dma source(%arg6 : memref<64x256xf32, #tpu.memory_space<vmem>>) target(%dma_start3A_169 : memref<64x256xf32, #tpu.memory_space<hbm>>) target_semaphore(%arg18 : memref<!tpu.dma_semaphore, #tpu.memory_space<semaphore_mem>>)
    %dma_wait3A_170 = arith.constant 7 : i32
    %dma_wait3A_171 = arith.constant 0 : i32
    %dma_wait3A_172 = tpu.memref_slice %arg5[%dma_wait3A_170, %dma_wait3A_171] : memref<8x64xi32, #tpu.memory_space<vmem>> -> memref<1x64xi32, #tpu.memory_space<vmem>>
    %dma_wait3A_173 = tpu.memref_squeeze %dma_wait3A_172 : memref<1x64xi32, #tpu.memory_space<vmem>> -> memref<64xi32, #tpu.memory_space<vmem>>
    %dma_wait3A_174 = arith.constant 0 : i32
    %dma_wait3A_175 = arith.constant 0 : i32
    %dma_wait3A_176 = tpu.memref_slice %arg3[%dma_wait3A_174, %dma_wait3A_175] : memref<88829x256xf32, #tpu.memory_space<hbm>> -> memref<88829x256xf32, #tpu.memory_space<hbm>>
    tpu.wait_indirect_dma semaphore(%arg13 : memref<!tpu.dma_semaphore, #tpu.memory_space<semaphore_mem>>) src(%dma_wait3A_176 : memref<88829x256xf32, #tpu.memory_space<hbm>>) dst(%arg7 : memref<64x256xf32, #tpu.memory_space<vmem>>)
    %mul3A_177 = arith.constant 512 : i32
    %mul3A_178 = arith.muli %add3A, %mul3A_177 : i32
    %add3A_179 = arith.constant 448 : i32
    %add3A_180 = arith.addi %mul3A_178, %add3A_179 : i32
    %dma_start3A_181 = arith.constant 0 : i32
    %dma_start3A_182 = tpu.memref_slice %arg4[%add3A_180, %dma_start3A_181] : memref<16384x256xf32, #tpu.memory_space<hbm>> -> memref<64x256xf32, #tpu.memory_space<hbm>>
    %dma_start3A_183 = arith.constant 0 : i32
    %dma_start3A_184 = tpu.memref_slice %arg4[%add3A_180, %dma_start3A_183] : memref<16384x256xf32, #tpu.memory_space<hbm>> -> memref<64x256xf32, #tpu.memory_space<hbm>>
    tpu.enqueue_dma source(%arg7 : memref<64x256xf32, #tpu.memory_space<vmem>>) target(%dma_start3A_184 : memref<64x256xf32, #tpu.memory_space<hbm>>) target_semaphore(%arg19 : memref<!tpu.dma_semaphore, #tpu.memory_space<semaphore_mem>>)
    %dma_wait3A_185 = arith.constant 0 : i32
    %dma_wait3A_186 = tpu.memref_slice %arg4[%add3A_105, %dma_wait3A_185] : memref<16384x256xf32, #tpu.memory_space<hbm>> -> memref<64x256xf32, #tpu.memory_space<hbm>>
    %dma_wait3A_187 = arith.constant 0 : i32
    %dma_wait3A_188 = tpu.memref_slice %arg4[%add3A_105, %dma_wait3A_187] : memref<16384x256xf32, #tpu.memory_space<hbm>> -> memref<64x256xf32, #tpu.memory_space<hbm>>
    tpu.wait_dma2 semaphore(%arg20 : memref<!tpu.dma_semaphore, #tpu.memory_space<semaphore_mem>>) src(%arg8 : memref<64x256xf32, #tpu.memory_space<vmem>>) dst(%dma_wait3A_188 : memref<64x256xf32, #tpu.memory_space<hbm>>)
    %dma_wait3A_189 = arith.constant 0 : i32
    %dma_wait3A_190 = tpu.memref_slice %arg4[%add3A_120, %dma_wait3A_189] : memref<16384x256xf32, #tpu.memory_space<hbm>> -> memref<64x256xf32, #tpu.memory_space<hbm>>
    %dma_wait3A_191 = arith.constant 0 : i32
    %dma_wait3A_192 = tpu.memref_slice %arg4[%add3A_120, %dma_wait3A_191] : memref<16384x256xf32, #tpu.memory_space<hbm>> -> memref<64x256xf32, #tpu.memory_space<hbm>>
    tpu.wait_dma2 semaphore(%arg21 : memref<!tpu.dma_semaphore, #tpu.memory_space<semaphore_mem>>) src(%arg9 : memref<64x256xf32, #tpu.memory_space<vmem>>) dst(%dma_wait3A_192 : memref<64x256xf32, #tpu.memory_space<hbm>>)
    %dma_wait3A_193 = arith.constant 0 : i32
    %dma_wait3A_194 = tpu.memref_slice %arg4[%add3A_135, %dma_wait3A_193] : memref<16384x256xf32, #tpu.memory_space<hbm>> -> memref<64x256xf32, #tpu.memory_space<hbm>>
    %dma_wait3A_195 = arith.constant 0 : i32
    %dma_wait3A_196 = tpu.memref_slice %arg4[%add3A_135, %dma_wait3A_195] : memref<16384x256xf32, #tpu.memory_space<hbm>> -> memref<64x256xf32, #tpu.memory_space<hbm>>
    tpu.wait_dma2 semaphore(%arg22 : memref<!tpu.dma_semaphore, #tpu.memory_space<semaphore_mem>>) src(%arg10 : memref<64x256xf32, #tpu.memory_space<vmem>>) dst(%dma_wait3A_196 : memref<64x256xf32, #tpu.memory_space<hbm>>)
    %dma_wait3A_197 = arith.constant 0 : i32
    %dma_wait3A_198 = tpu.memref_slice %arg4[%add3A_150, %dma_wait3A_197] : memref<16384x256xf32, #tpu.memory_space<hbm>> -> memref<64x256xf32, #tpu.memory_space<hbm>>
    %dma_wait3A_199 = arith.constant 0 : i32
    %dma_wait3A_200 = tpu.memref_slice %arg4[%add3A_150, %dma_wait3A_199] : memref<16384x256xf32, #tpu.memory_space<hbm>> -> memref<64x256xf32, #tpu.memory_space<hbm>>
    tpu.wait_dma2 semaphore(%arg23 : memref<!tpu.dma_semaphore, #tpu.memory_space<semaphore_mem>>) src(%arg11 : memref<64x256xf32, #tpu.memory_space<vmem>>) dst(%dma_wait3A_200 : memref<64x256xf32, #tpu.memory_space<hbm>>)
    %dma_wait3A_201 = arith.constant 0 : i32
    %dma_wait3A_202 = tpu.memref_slice %arg4[%add3A_165, %dma_wait3A_201] : memref<16384x256xf32, #tpu.memory_space<hbm>> -> memref<64x256xf32, #tpu.memory_space<hbm>>
    %dma_wait3A_203 = arith.constant 0 : i32
    %dma_wait3A_204 = tpu.memref_slice %arg4[%add3A_165, %dma_wait3A_203] : memref<16384x256xf32, #tpu.memory_space<hbm>> -> memref<64x256xf32, #tpu.memory_space<hbm>>
    tpu.wait_dma2 semaphore(%arg18 : memref<!tpu.dma_semaphore, #tpu.memory_space<semaphore_mem>>) src(%arg6 : memref<64x256xf32, #tpu.memory_space<vmem>>) dst(%dma_wait3A_204 : memref<64x256xf32, #tpu.memory_space<hbm>>)
    %dma_wait3A_205 = arith.constant 0 : i32
    %dma_wait3A_206 = tpu.memref_slice %arg4[%add3A_180, %dma_wait3A_205] : memref<16384x256xf32, #tpu.memory_space<hbm>> -> memref<64x256xf32, #tpu.memory_space<hbm>>
    %dma_wait3A_207 = arith.constant 0 : i32
    %dma_wait3A_208 = tpu.memref_slice %arg4[%add3A_180, %dma_wait3A_207] : memref<16384x256xf32, #tpu.memory_space<hbm>> -> memref<64x256xf32, #tpu.memory_space<hbm>>
    tpu.wait_dma2 semaphore(%arg19 : memref<!tpu.dma_semaphore, #tpu.memory_space<semaphore_mem>>) src(%arg7 : memref<64x256xf32, #tpu.memory_space<vmem>>) dst(%dma_wait3A_208 : memref<64x256xf32, #tpu.memory_space<hbm>>)
    return
  }
}

module attributes {stable_mosaic.version = 14 : i64} {
  func.func @_dense_body(%arg0: i32, %arg1: memref<8x4096xf32, #tpu.memory_space<vmem>>, %arg2: memref<4096x256xf32, #tpu.memory_space<vmem>>, %arg3: memref<8x8xf32, #tpu.memory_space<vmem>>, %arg4: memref<256x24xf32, #tpu.memory_space<vmem>>, %arg5: memref<512x128xf32, #tpu.memory_space<vmem>>, %arg6: memref<1x128xf32, #tpu.memory_space<vmem>>, %arg7: memref<4096x128xf32, #tpu.memory_space<vmem>>) attributes {dimension_semantics = [#tpu.dimension_semantics<arbitrary>], iteration_bounds = array<i64: 4>, scalar_prefetch = 0 : i64, scratch_operands = 0 : i64, tpu.core_type = #tpu.core_type<tc>, window_params = [{transform_indices = @transform_0, window_bounds = array<i64: 8, 4096>}, {transform_indices = @transform_1, window_bounds = array<i64: 4096, 256>}, {pipeline_mode = #tpu.pipeline_mode<synchronous>, transform_indices = @transform_2, window_bounds = array<i64: 8, 8>}, {pipeline_mode = #tpu.pipeline_mode<synchronous>, transform_indices = @transform_3, window_bounds = array<i64: 256, 24>}, {pipeline_mode = #tpu.pipeline_mode<synchronous>, transform_indices = @transform_4, window_bounds = array<i64: 512, 128>}, {pipeline_mode = #tpu.pipeline_mode<synchronous>, transform_indices = @transform_5, window_bounds = array<i64: 1, 128>}, {transform_indices = @transform_6, window_bounds = array<i64: 4096, 128>}]} {
    %get3A = arith.constant 0 : index
    %get3A_0 = arith.constant 0 : index
    %get3A_1 = vector.load %arg1[%get3A, %get3A_0] : memref<8x4096xf32, #tpu.memory_space<vmem>>, vector<8x4096xf32>
    %get3A_2 = arith.constant 0 : index
    %get3A_3 = arith.constant 0 : index
    %get3A_4 = vector.load %arg3[%get3A_2, %get3A_3] : memref<8x8xf32, #tpu.memory_space<vmem>>, vector<8x8xf32>
    %dot_general3A = arith.constant dense<0.000000e+00> : vector<8x4096xf32>
    %dot_general3A_5 = tpu.matmul %get3A_4, %get3A_1, %dot_general3A {dimension_numbers = #tpu.dot_dimension_numbers<[1], [0], [0], [1], [0, 0, 1, 1], [], []>, transpose_lhs_hint = false} : vector<8x8xf32>, vector<8x4096xf32>, vector<8x4096xf32> -> vector<8x4096xf32>
    %tanh3A = math.tanh %dot_general3A_5 : vector<8x4096xf32>
    %iota3A = tpu.iota {dimensions = array<i32: 0>} : vector<8x1xi32>
    %convert_element_type3A = arith.sitofp %iota3A : vector<8x1xi32> to vector<8x1xf32>
    %slice3A = vector.extract_strided_slice %get3A_1 {offsets = [3, 0], sizes = [1, 4096], strides = [1, 1]} : vector<8x4096xf32> to vector<1x4096xf32>
    %eq3A = vector.broadcast %slice3A : vector<1x4096xf32> to vector<8x4096xf32>
    %eq3A_6 = vector.broadcast %convert_element_type3A : vector<8x1xf32> to vector<8x4096xf32>
    %eq3A_7 = arith.cmpf oeq, %eq3A, %eq3A_6 : vector<8x4096xf32>
    %convert_element_type3A_8 = arith.extui %eq3A_7 : vector<8x4096xi1> to vector<8x4096xi32>
    %convert_element_type3A_9 = arith.sitofp %convert_element_type3A_8 : vector<8x4096xi32> to vector<8x4096xf32>
    %slice3A_10 = vector.extract_strided_slice %get3A_1 {offsets = [4, 0], sizes = [1, 4096], strides = [1, 1]} : vector<8x4096xf32> to vector<1x4096xf32>
    %eq3A_11 = vector.broadcast %slice3A_10 : vector<1x4096xf32> to vector<8x4096xf32>
    %eq3A_12 = vector.broadcast %convert_element_type3A : vector<8x1xf32> to vector<8x4096xf32>
    %eq3A_13 = arith.cmpf oeq, %eq3A_11, %eq3A_12 : vector<8x4096xf32>
    %convert_element_type3A_14 = arith.extui %eq3A_13 : vector<8x4096xi1> to vector<8x4096xi32>
    %convert_element_type3A_15 = arith.sitofp %convert_element_type3A_14 : vector<8x4096xi32> to vector<8x4096xf32>
    %slice3A_16 = vector.extract_strided_slice %get3A_1 {offsets = [5, 0], sizes = [1, 4096], strides = [1, 1]} : vector<8x4096xf32> to vector<1x4096xf32>
    %slice3A_17 = vector.extract_strided_slice %convert_element_type3A_15 {offsets = [0, 0], sizes = [7, 4096], strides = [1, 1]} : vector<8x4096xf32> to vector<7x4096xf32>
    %concatenate3A = tpu.concatenate %tanh3A, %convert_element_type3A_9, %slice3A_17, %slice3A_16 in 0 : vector<8x4096xf32>, vector<8x4096xf32>, vector<7x4096xf32>, vector<1x4096xf32> -> vector<24x4096xf32>
    %get3A_18 = arith.constant 0 : index
    %get3A_19 = arith.constant 0 : index
    %get3A_20 = vector.load %arg4[%get3A_18, %get3A_19] : memref<256x24xf32, #tpu.memory_space<vmem>>, vector<256x24xf32>
    %dot_general3A_21 = arith.constant dense<0.000000e+00> : vector<256x4096xf32>
    %dot_general3A_22 = tpu.matmul %get3A_20, %concatenate3A, %dot_general3A_21 {dimension_numbers = #tpu.dot_dimension_numbers<[1], [0], [0], [1], [0, 0, 1, 1], [], []>, transpose_lhs_hint = false} : vector<256x24xf32>, vector<24x4096xf32>, vector<256x4096xf32> -> vector<256x4096xf32>
    %tanh3A_23 = math.tanh %dot_general3A_22 : vector<256x4096xf32>
    %get3A_24 = arith.constant 0 : index
    %get3A_25 = arith.constant 0 : index
    %get3A_26 = vector.load %arg2[%get3A_24, %get3A_25] : memref<4096x256xf32, #tpu.memory_space<vmem>>, vector<4096x256xf32>
    %get3A_27 = arith.constant 0 : index
    %get3A_28 = arith.constant 0 : index
    %get3A_29 = vector.load %arg5[%get3A_27, %get3A_28] : memref<512x128xf32, #tpu.memory_space<vmem>>, vector<256x128xf32>
    %dot_general3A_30 = arith.constant dense<0.000000e+00> : vector<4096x128xf32>
    %dot_general3A_31 = tpu.matmul %get3A_26, %get3A_29, %dot_general3A_30 {dimension_numbers = #tpu.dot_dimension_numbers<[1], [0], [0], [1], [0, 0, 1, 1], [], []>, transpose_lhs_hint = false} : vector<4096x256xf32>, vector<256x128xf32>, vector<4096x128xf32> -> vector<4096x128xf32>
    %get3A_32 = arith.constant 256 : index
    %get3A_33 = arith.constant 0 : index
    %get3A_34 = vector.load %arg5[%get3A_32, %get3A_33] : memref<512x128xf32, #tpu.memory_space<vmem>>, vector<256x128xf32>
    %dot_general3A_35 = arith.constant dense<0.000000e+00> : vector<4096x128xf32>
    %dot_general3A_36 = tpu.matmul %tanh3A_23, %get3A_34, %dot_general3A_35 {dimension_numbers = #tpu.dot_dimension_numbers<[0], [0], [1], [1], [0, 1, 1, 1], [], []>, transpose_lhs_hint = false} : vector<256x4096xf32>, vector<256x128xf32>, vector<4096x128xf32> -> vector<4096x128xf32>
    %add3A = arith.addf %dot_general3A_31, %dot_general3A_36 : vector<4096x128xf32>
    %get3A_37 = arith.constant 0 : index
    %get3A_38 = arith.constant 0 : index
    %get3A_39 = vector.load %arg6[%get3A_37, %get3A_38] : memref<1x128xf32, #tpu.memory_space<vmem>>, vector<1x128xf32>
    %add3A_40 = vector.broadcast %get3A_39 : vector<1x128xf32> to vector<4096x128xf32>
    %add3A_41 = arith.addf %add3A, %add3A_40 : vector<4096x128xf32>
    %tanh3A_42 = math.tanh %add3A_41 : vector<4096x128xf32>
    %swap3A = arith.constant 0 : index
    %swap3A_43 = arith.constant 0 : index
    %swap3A_44 = vector.load %arg7[%swap3A, %swap3A_43] : memref<4096x128xf32, #tpu.memory_space<vmem>>, vector<4096x128xf32>
    tpu.vector_store %arg7[%swap3A, %swap3A_43], %tanh3A_42 {strides = array<i32>} : memref<4096x128xf32, #tpu.memory_space<vmem>>, vector<4096x128xf32>,
    return
  }
  func.func @transform_0(%arg0: i32) -> (i32, i32) {
    %c0_i32 = arith.constant 0 : i32
    %c0_i32_0 = arith.constant 0 : i32
    return %c0_i32, %arg0 : i32, i32
  }
  func.func @transform_1(%arg0: i32) -> (i32, i32) {
    %c0_i32 = arith.constant 0 : i32
    %c0_i32_0 = arith.constant 0 : i32
    return %arg0, %c0_i32 : i32, i32
  }
  func.func @transform_2(%arg0: i32) -> (i32, i32) {
    %c0_i32 = arith.constant 0 : i32
    %c0_i32_0 = arith.constant 0 : i32
    %c0_i32_1 = arith.constant 0 : i32
    return %c0_i32, %c0_i32_0 : i32, i32
  }
  func.func @transform_3(%arg0: i32) -> (i32, i32) {
    %c0_i32 = arith.constant 0 : i32
    %c0_i32_0 = arith.constant 0 : i32
    %c0_i32_1 = arith.constant 0 : i32
    return %c0_i32, %c0_i32_0 : i32, i32
  }
  func.func @transform_4(%arg0: i32) -> (i32, i32) {
    %c0_i32 = arith.constant 0 : i32
    %c0_i32_0 = arith.constant 0 : i32
    %c0_i32_1 = arith.constant 0 : i32
    return %c0_i32, %c0_i32_0 : i32, i32
  }
  func.func @transform_5(%arg0: i32) -> (i32, i32) {
    %c0_i32 = arith.constant 0 : i32
    %c0_i32_0 = arith.constant 0 : i32
    %c0_i32_1 = arith.constant 0 : i32
    return %c0_i32, %c0_i32_0 : i32, i32
  }
  func.func @transform_6(%arg0: i32) -> (i32, i32) {
    %c0_i32 = arith.constant 0 : i32
    %c0_i32_0 = arith.constant 0 : i32
    return %arg0, %c0_i32 : i32, i32
  }
}

</mosaic_0001>

<sc_bundles>
// kernel: kernel.4.cloned.1.call-start
scs
__scs_entry_jumppad:
0x0: {  	(pc) =	sbr.rel $0x88, $3  }
0x1: {  	(tag) =	ssettag $0x0;
	lr =	simm.s32 $0x1  }
0x2: {  	[smem:$0x3F92] =	sst lr;
	_ =	strace $0xD0000000  }
0x3: {  	_ = 	snop  }
0x4: {  	_ = 	snop  }
0x5: {  	_ = 	snop  }
0x6: {  	_ = 	snop  }
0x7: {  	_ = 	snop  }
__scs_overlays_trampoline_lowered:
0x8: {  	[smem:$0x3FA1] =	sst s0  }
0x9: {  	[smem:$0x3FA2] =	sst s1  }
0xa: {  	[smem:$0x3FA3] =	sst s2  }
0xb: {  	[smem:$0x3FA4] =	sst s3  }
0xc: {  	[smem:$0x3FA5] =	sst s4  }
0xd: {  	[smem:$0x3FA6] =	sst s5  }
0xe: {  	[smem:$0x3FA7] =	sst s6  }
0xf: {  	[smem:$0x3FA8] =	sst s7  }
0x10: {  	[smem:$0x3FA9] =	sst s8  }
0x11: {  	[smem:$0x3FAA] =	sst s9;
	s0 =	simm.s32 @!p0 $0x0  }
0x12: {  	s1 =	sld [smem:$0x3F90];
	s0 =	simm.s32 @p0 $0x1  }
0x13: {  	[smem:$0x3FAB] =	sst s0;
	s0 =	simm.s32 @!p1 $0x0  }
0x14: {  	s2 =	sld [smem:$0x3F8F];
	s0 =	simm.s32 @p1 $0x1  }
0x15: {  	[smem:$0x3FAC] =	sst s0;
	s0 =	simm.s32 @!p2 $0x0  }
0x16: {  	s3 =	sld [smem:$0x3FDB];
	s0 =	simm.s32 @p2 $0x1  }
0x17: {  	s4 =	simm.s32 $0x1BF5;
	[smem:$0x3FAE] =	sst s0  }
0x18: {  	s0 =	sld [smem:$0x3F91];
	_ =	swait.ge [sflag:s4], $0x0  }
0x19: {  	s7 =	sld [smem:$0x3F92]  }
0x1a: {  	s8 =	sadd.s32 $0xFFFFE003, lr  }
0x1b: {  	s9 =	sadd.s32 $0xFFFFFEF7, lr;
	s5 =	simm.s32 $0xFFFFFFFF;
	p2 =	slt.u32 s8, $0xFFFFF086  }
0x1c: {  	p1 =	slt.u32 s9, $0xF7A;
	s5 =	simm.s32 @!p2 $0x0  }
0x1d: {  	s5 =	simm.s32 @p1 $0x1;
	p0 =	seq.s32 s7, s2  }
0x1e: {  	s7 =	smul.u32 @!p0 $0xF7A, s2;
	p2 =	seq.s32 @!p0 s5, $0x0  }
0x1f: {  	s9 =	smul.u32 $0xF7A, s1;
	s8 =	simm.s32 @!p0 $0x1BF5;
	p2 =	por !p2, p0  }
0x20: {  	[sflag:s8] =	ssyncset.s32 @!p0 $0xFFFFF086;
	s6 =	sadd.s32 @!p0 s3, s7;
	s7 =	simm.s32 @!p0 $0x108  }
0x21: {  	s3 =	sadd.s32 s3, s9;
	s6 =	sadd.s32 @!p0 $0x88, s6;
	s7 =	simm.s32 @p2 $0x1082  }
0x22: {  	[simem:s7], [sflag:s8] =	dma.local @!p0 [hbm:s6], $0xF7A  }
0x23: {  	s9 =	sor.u32 $0xD0000000, s2;
	s6 =	simm.s32 $0x108;
	_ =	swait.ge @!p0 [sflag:s8], $0x0  }
0x24: {  	s3 =	sadd.s32 $0x88, s3;
	s6 =	simm.s32 @!p1 $0x1082;
	[sflag:s4] =	ssyncset.s32 $0xFFFFF086  }
0x25: {  	[simem:s6], [sflag:s4] =	dma.local [hbm:s3], $0xF7A  }
0x26: {  	[smem:$0x3F92] =	sst s1;
	(tag) =	ssettag s2;
	_ =	strace s9  }
0x27: {  	s1 =	sld [smem:$0x3FA2]  }
0x28: {  	s2 =	sld [smem:$0x3FA3]  }
0x29: {  	s4 =	sld [smem:$0x3FA5]  }
0x2a: {  	p0 =	seq.s32 s5, $0x0;
	s5 =	sld [smem:$0x3FA6]  }
0x2b: {  	s6 =	sld [smem:$0x3FA7]  }
0x2c: {  	s7 =	sld [smem:$0x3FA8]  }
0x2d: {  	s3 =	simm.s32 $0x108;
	s8 =	sld [smem:$0x3FA9]  }
0x2e: {  	s3 =	simm.s32 @!p0 $0x1082;
	s9 =	sld [smem:$0x3FAA]  }
0x2f: {  	lr =	sadd.s32 s0, s3;
	s0 =	sld [smem:$0x3FA1]  }
0x30: {  	s3 =	sld [smem:$0x3FA4]  }
0x31: {  	[smem:$0x3FAD] =	sst s10  }
0x32: {  	s10 =	sld [smem:$0x3FAB];
	_ =	sdelay $0x3  }
0x33: {  	p0 =	seq.s32 s10, $0x1;
	s10 =	sld [smem:$0x3FAD];
	_ =	sdelay $0x3  }
0x34: {  	[smem:$0x3FAD] =	sst s10  }
0x35: {  	s10 =	sld [smem:$0x3FAC];
	_ =	sdelay $0x3  }
0x36: {  	p1 =	seq.s32 s10, $0x1;
	s10 =	sld [smem:$0x3FAD];
	_ =	sdelay $0x3  }
0x37: {  	[smem:$0x3FAD] =	sst s10  }
0x38: {  	s10 =	sld [smem:$0x3FAE]  }
0x39: {  	_ = 	snop;
	(pc) =	sbr.ind lr, $3  }
0x3a: {  	_ = 	snop  }
0x3b: {  	_ = 	snop  }
0x3c: {  	p2 =	seq.s32 s10, $0x1;
	s10 =	sld [smem:$0x3FAD]  }
0x3d: {  	_ =	shalt  }
0x3e: {  	_ =	shalt  }
0x3f: {  	_ =	shalt  }
0x40: {  	_ =	shalt  }
0x41: {  	_ =	shalt  }
0x42: {  	_ =	shalt  }
0x43: {  	_ =	shalt  }
0x44: {  	_ =	shalt  }
0x45: {  	_ =	shalt  }
0x46: {  	_ =	shalt  }
0x47: {  	_ =	shalt  }
0x48: {  	_ =	shalt  }
0x49: {  	_ =	shalt  }
0x4a: {  	_ =	shalt  }
0x4b: {  	_ =	shalt  }
0x4c: {  	_ =	shalt  }
0x4d: {  	_ =	shalt  }
0x4e: {  	_ =	shalt  }
0x4f: {  	_ =	shalt  }
0x50: {  	_ =	shalt  }
0x51: {  	_ =	shalt  }
0x52: {  	_ =	shalt  }
0x53: {  	_ =	shalt  }
0x54: {  	_ =	shalt  }
0x55: {  	_ =	shalt  }
0x56: {  	_ =	shalt  }
0x57: {  	_ =	shalt  }
0x58: {  	_ =	shalt  }
0x59: {  	_ =	shalt  }
0x5a: {  	_ =	shalt  }
0x5b: {  	_ =	shalt  }
0x5c: {  	_ =	shalt  }
0x5d: {  	_ =	shalt  }
0x5e: {  	_ =	shalt  }
0x5f: {  	_ =	shalt  }
0x60: {  	_ =	shalt  }
0x61: {  	_ =	shalt  }
0x62: {  	_ =	shalt  }
0x63: {  	_ =	shalt  }
0x64: {  	_ =	shalt  }
0x65: {  	_ =	shalt  }
0x66: {  	_ =	shalt  }
0x67: {  	_ =	shalt  }
0x68: {  	_ =	shalt  }
0x69: {  	_ =	shalt  }
0x6a: {  	_ =	shalt  }
0x6b: {  	_ =	shalt  }
0x6c: {  	_ =	shalt  }
0x6d: {  	_ =	shalt  }
0x6e: {  	_ =	shalt  }
0x6f: {  	_ =	shalt  }
0x70: {  	_ =	shalt  }
0x71: {  	_ =	shalt  }
0x72: {  	_ =	shalt  }
0x73: {  	_ =	shalt  }
0x74: {  	_ =	shalt  }
0x75: {  	_ =	shalt  }
0x76: {  	_ =	shalt  }
0x77: {  	_ =	shalt  }
0x78: {  	_ =	shalt  }
0x79: {  	_ =	shalt  }
0x7a: {  	_ =	shalt  }
0x7b: {  	_ =	shalt  }
0x7c: {  	_ =	shalt  }
0x7d: {  	_ =	shalt  }
0x7e: {  	_ =	shalt  }
0x7f: {  	_ =	shalt  }
0x80: {  	_ =	shalt  }
0x81: {  	_ =	shalt  }
0x82: {  	_ =	shalt  }
0x83: {  	_ =	shalt  }
0x84: {  	_ =	shalt  }
0x85: {  	_ =	shalt  }
0x86: {  	_ =	shalt  }
0x87: {  	_ =	shalt  }
.Lfunc_end0:
.L_simem_size_0:
called_computation_lowered:
.L_overlay_start_0:
0x88: {  	s2 =	sld [smem:$0x3FD9]  }
0x89: {  	s3 =	sld [smem:$0x3FFE];
	_ =	sdelay $0x1  }
0x8a: {  	s1 =	srdreg.scid  }
0x8b: {  	s0 =	sand.u32 $0x1, s1  }
0x8c: {  	s17 =	sshll.u32 s0, $0xA;
	s2 =	sadd.s32 s3, s2  }
0x8d: {  	s2 =	sadd.s32 s2, s17  }
0x8e: {  	[smem:$0x3FB9] =	sst s2  }
0x8f: {  	_ = 	snop  }
0x90: {  	s2 =	sld [smem:$0x3FBF]  }
0x91: {  	s18 =	sld [smem:$0x3FD0];
	(tm) =	ssettm $0x1  }
0x92: {  	s4 =	sld [smem:$0x3FFB];
	_ =	sdelay $0x3  }
0x93: {  	_ =	strace s4  }
0x94: {  	s4 =	sld [smem:$0x3FFC];
	_ =	sdelay $0x3  }
0x95: {  	_ =	strace s4  }
0x96: {  	s4 =	sld [smem:$0x3FFD];
	_ =	sdelay $0x3  }
0x97: {  	_ =	strace s4  }
0x98: {  	_ =	strace $0x8FFFFFFF  }
0x99: {  	s19 =	sld [smem:$0x3FDB];
	_ =	sdelay $0x1  }
0x9a: {  	s5 =	simm.s32 $_scs_section_size  }
0x9b: {  	s6 =	simm.s32 $_size__tile_overlayer_lowered;
	s7 =	simm.s32 $_tile_overlayer_lowered  }
0x9c: {  	s22 =	simm.s32 $0x1BFF;
	s21 =	sshll.u32 s7, $0x1;
	s4 =	sadd.s32 s5, s19  }
0x9d: {  	s8 =	simm.s32 $0x0;
	s20 =	sshll.u32 s6, $0x1;
	s6 =	sadd.s32 s21, s4  }
0x9e: {  	[timem:s8], [sflag:s22] =	dma.local [hbm:s6], s20  }
0x9f: {  	_ =	swait.ge [sflag:s22], s20  }
0xa0: {  	s5 =	ssub.s32 $0x0, s20;
	[sflag:s22] =	ssyncset.done $0x0  }
0xa1: {  	[sflag:s22] =	ssyncadd.s32 s5;
	_ =	sdelay $0x1  }
0xa2: {  	s23 =	simm.s32 $0x1B8B  }
0xa3: {  	_ =	swait.ge [sflag:s23], $0x1  }
0xa4: {  	[sflag:s23] =	ssyncset.done $0x0  }
0xa5: {  	s25 =	simm.s32 $0x1B8E;
	s24 =	sld [smem:$0x3FFE];
	[sflag:s23] =	ssyncadd.s32 $0xFFFFFFFF  }
0xa6: {  	s26 =	simm.s32 $execute0_lowered;
	[smem:$0x3FD2] =	sst s25  }
0xa7: {  	s6 =	sshll.u32 s26, $0x1;
	_ =	strace $0x80000046;
	[dreg:$0x1] =	wrdreg $0xFFFFFFFF  }
0xa8: {  	s28 =	simm.s32 $_size_execute0_lowered;
	s4 =	sadd.s32 s4, s6;
	[dreg:$0x0] =	wrdreg $0x0  }
0xa9: {  	s6 =	sshll.u32 s28, $0x1;
	[dreg:$0x2] =	wrdreg s4  }
0xaa: {  	[dreg:$0x3] =	wrdreg s6  }
0xab: {  	[dreg:$0x4] =	wrdreg $0xC0  }
0xac: {  	_ =	task [dreg:s8], $0x5FFFF  }
0xad: {  	[dreg:$0x1] =	wrdreg $0xFFFFFFFF  }
0xae: {  	[dreg:$0x0] =	wrdreg $0x60  }
0xaf: {  	[dreg:$0x2] =	wrdreg s18  }
0xb0: {  	[dreg:$0x3] =	wrdreg s2  }
0xb1: {  	[dreg:$0x4] =	wrdreg s24  }
0xb2: {  	[dreg:$0x5] =	wrdreg $0x9  }
0xb3: {  	_ =	task.clear_ibuf [dreg:s8], $0x6FFFF;
	_ =	strace $0x90000046  }
0xb4: {  	s29 =	simm.s32 $0x9;
	_ =	strace $0x80000048  }
0xb5: {  	_ =	swait.ge [sflag:s29], $0x1  }
0xb6: {  	[sflag:s29] =	ssyncadd.s32 $0xFFFFFFFF  }
0xb7: {  	_ =	strace $0x90000048  }
0xb8: {  	_ =	sfence  }
0xb9: {  	s30 =	sld [smem:$0x0];
	_ =	sdelay $0x2  }
0xba: {  	s31 =	sshll.u32 s1, $0xD;
	s1 =	sshrl.u32 s1, $0x2  }
0xbb: {  	s3 =	sand.u32 $0x4000, s31;
	s1 =	sadd.s32 s1, s30  }
0xbc: {  	s0 =	sor.u32 s3, s0;
	s1 =	sshll.u32 s1, $0x11  }
0xbd: {  	s0 =	sor.u32 s1, s0  }
0xbe: {  	s0 =	sadd.s32 $0x8F2B, s0  }
0xbf: {  	[sflag:s0] =	ssyncadd.remote.s32 $0x1  }
0xc0: {  	_ =	sfence.sel $0xFFFF  }
0xc1: {  	[dreg:$0x0] =	wrdreg $0xFFFFFFFF;
	(pc) =	sbr.abs _section_cstart, $3  }
0xc2: {  	[dreg:$0x1] =	wrdreg $0xFFFFFFFF  }
0xc3: {  	_ =	task.clear_ibuf [dreg:s8], $0x2FFFF;
	_ =	strace $0x9FFFFFFF  }
0xc4: {  	(tm) =	ssettm $0x7FFFFFFF  }
0xc5: {  	_ =	shalt  }
tec
execute0_lowered:
.L_overlay_start_1:
0x0: {  	(tag) =	ssettag $0x1  }
0x1: {  	s0 =	rddreg [dreg:$0x0]  }
0x2: {  	s2 =	rddreg [dreg:$0x1];
	s3 =	stileid.u32  }
0x3: {  	s4 =	rddreg [dreg:$0x2];
	s5 =	sshll.u32 s3, $0x1;
	s3 =	simm.s32 $0x0  }
0x4: {  	s20 =	simm.s32 $0x8C00;
	[smem:$0x7FF] =	sst s3  }
0x5: {  	s21 =	simm.s32 $0x9400;
	_ =	strace $0x80000047;
	[dreg:$0xd] =	wrdreg s20  }
0x6: {  	s22 =	simm.s32 $0x9C00;
	[dreg:$0xe] =	wrdreg s21  }
0x7: {  	s23 =	simm.s32 $0xA400;
	[dreg:$0xf] =	wrdreg s22  }
0x8: {  	s24 =	simm.s32 $0xAC00;
	[dreg:$0x10] =	wrdreg s23  }
0x9: {  	s25 =	simm.s32 $0xB400;
	[dreg:$0x11] =	wrdreg s24  }
0xa: {  	s7 =	simm.s32 $0xD400;
	[dreg:$0x12] =	wrdreg s25  }
0xb: {  	s8 =	simm.s32 $0xDC00;
	[dreg:$0x15] =	wrdreg s7  }
0xc: {  	s9 =	simm.s32 $0xE400;
	[dreg:$0x16] =	wrdreg s8  }
0xd: {  	s1 =	srdreg.scid;
	s10 =	simm.s32 $0xEC00;
	[dreg:$0x17] =	wrdreg s9  }
0xe: {  	s11 =	simm.s32 $0xF400;
	s28 =	simm.s32 $0x7;
	[dreg:$0x18] =	wrdreg s10  }
0xf: {  	s29 =	simm.s32 $0x2;
	[dreg:$0x19] =	wrdreg s11;
	s20 =	simm.s32 $0x14C00  }
0x10: {  	s30 =	simm.s32 $0x8;
	s21 =	simm.s32 $0x15400;
	[smem:$0x7F7] =	sst s20  }
0x11: {  	s1 =	sand.u32 $0x1, s1;
	s22 =	simm.s32 $0x15C00;
	[smem:$0x7F8] =	sst s21  }
0x12: {  	s5 =	sor.u32 s1, s5;
	s23 =	simm.s32 $0x16400;
	[smem:$0x7F9] =	sst s22  }
0x13: {  	s6 =	sshll.u32 s5, $0xE;
	s24 =	simm.s32 $0x16C00;
	[smem:$0x7FA] =	sst s23  }
0x14: {  	s5 =	sshll.u32 s5, $0x7;
	s25 =	simm.s32 $0x17400;
	[smem:$0x7FB] =	sst s24  }
0x15: {  	s1 =	ssub.s32 $0x2, s1;
	s0 =	sadd.s32 s0, s5;
	[smem:$0x7FC] =	sst s25  }
0x16: {  	s26 =	sshrl.u32 s1, $0x1;
	s5 =	simm.s32 $0xBC00;
	[dreg:$0x4] =	wrdreg s0  }
0x17: {  	s4 =	sadd.s32 s6, s4;
	s6 =	simm.s32 $0xCC00;
	[dreg:$0x13] =	wrdreg s5  }
0x18: {  	s1 =	ssub.s32 s1, s26;
	s26 =	simm.s32 $0x17C00;
	[dreg:$0x14] =	wrdreg s6  }
0x19: {  	s31 =	simm.s32 $0x7400;
	s12 =	sadd.s32 $0x400, s4;
	[smem:$0x7FD] =	sst s26  }
0x1a: {  	s10 =	simm.s32 $0xB;
	s13 =	sadd.s32 $0xC00, s4;
	[dreg:$0x5] =	wrdreg s12  }
0x1b: {  	s11 =	simm.s32 $0xC;
	s14 =	sadd.s32 $0x1400, s4;
	[dreg:$0x6] =	wrdreg s13  }
0x1c: {  	s7 =	simm.s32 $0xC400;
	s15 =	sadd.s32 $0x1C00, s4;
	[dreg:$0x7] =	wrdreg s14  }
0x1d: {  	s8 =	simm.s32 $0x10400;
	s16 =	sadd.s32 $0x2400, s4;
	[dreg:$0x8] =	wrdreg s15  }
0x1e: {  	s9 =	simm.s32 $0x14400;
	s17 =	sadd.s32 $0x2C00, s4;
	[dreg:$0x9] =	wrdreg s16  }
0x1f: {  	s20 =	simm.s32 $0x3400;
	s18 =	sadd.s32 $0x3400, s4;
	[dreg:$0xa] =	wrdreg s17  }
0x20: {  	s21 =	simm.s32 $0x3C00;
	s19 =	sadd.s32 $0x3C00, s4;
	[dreg:$0xb] =	wrdreg s18  }
0x21: {  	s22 =	simm.s32 $0x4C00;
	[dreg:$0xc] =	wrdreg s19;
	s12 =	simm.s32 $0xFC00  }
0x22: {  	s23 =	simm.s32 $0x5400;
	s13 =	simm.s32 $0x10C00;
	[dreg:$0x1a] =	wrdreg s12  }
0x23: {  	s24 =	simm.s32 $0x5C00;
	s14 =	simm.s32 $0x11400;
	[dreg:$0x1b] =	wrdreg s13  }
0x24: {  	s25 =	simm.s32 $0x6400;
	s15 =	simm.s32 $0x11C00;
	[dreg:$0x1c] =	wrdreg s14  }
0x25: {  	s4 =	smax.u32 s1, $0x1;
	s16 =	simm.s32 $0x12400;
	[dreg:$0x1d] =	wrdreg s15  }
0x26: {  	s6 =	simm.s32 $0x400;
	s17 =	simm.s32 $0x12C00;
	[dreg:$0x1e] =	wrdreg s16  }
0x27: {  	s26 =	simm.s32 $0x1;
	s18 =	simm.s32 $0x13400;
	[dreg:$0x1f] =	wrdreg s17  }
0x28: {  	v2 =	vlaneseq.u32;
	s19 =	simm.s32 $0x13C00;
	s14 =	simm.s32 $0x4400;
	[smem:$0x7F5] =	sst s18  }
0x29: {  	vm0 =	vmmov $0xffff;
	v1 =	vshrl.u32 v2, $0x3;
	[smem:$0x7F6] =	sst s19;
	s15 =	simm.s32 $0xC00;
	s16 =	simm.s32 $0x1400  }
0x2a: {  	v0 =	vand.u32 $0x7, v2;
	v2 =	vor.u32 $0x8, v2;
	v1 =	vmul.u32 $0x8, v1;
	s17 =	simm.s32 $0x1C00;
	s18 =	simm.s32 $0x2400;
	s19 =	simm.s32 $0x2C00  }
.LBB2_1:
0x2b: {  	s12 =	rddreg [dreg:$0x4];
	s5 =	simm.s32 $0xD  }
0x2c: {  	[tilespmem:s3], [sflag:$0xD] =	stream.linear.gather [hbm4b:s12+s3], $0x400, $0x38;
	[tilespmem:$0x18400] =	vst v63  }
0x2d: {  	_ =	swait.ge [sflag:s5], $0x400  }
0x2e: {  	[sflag:s5] =	ssyncset.done $0x0  }
0x2f: {  	[sflag:s5] =	ssyncadd.s32 $0xFFFFFC00  }
0x30: {  	v3 =	vld [tilespmem:$0x0];
	_ =	sdelay $0x4  }
0x31: {  	v4 =	vshll.u32 v3, $0x1  }
0x32: {  	v3 =	vand.u32 $0x7, v3;
	v4 =	vand.u32 $0xFFFFFFF0, v4  }
0x33: {  	v3 =	vor.u32 v3, v4  }
0x34: {  	v4 =	vperm.xlane v3, v0;
	_ =	sdelay $0x1  }
0x35: {  	v3 =	vperm.xlane v3, v2;
	v4 =	vadd.s32 v1, v4;
	_ =	sdelay $0x1  }
0x36: {  	v3 =	vadd.s32 v1, v3;
	_ =	sdelay $0x2  }
0x37: {  	[tilespmem:s6], [sflag:$0x1] =	stream.indirect_vreg.gather [hbm4b:s2+s3], $0x80, v4, vm0, $0xb8;
	[tilespmem:$0x18400] =	vst v63  }
0x38: {  	_ = 	snop  }
0x39: {  	[tilespmem:s15], [sflag:$0x1] =	stream.indirect_vreg.gather [hbm4b:s2+s3], $0x80, v3, vm0, $0xb8;
	[tilespmem:$0x18400] =	vst v63  }
0x3a: {  	v3 =	vld [tilespmem:$0x10];
	_ =	sdelay $0x4  }
0x3b: {  	v33 =	vshll.u32 v3, $0x1  }
0x3c: {  	v3 =	vand.u32 $0x7, v3;
	v4 =	vand.u32 $0xFFFFFFF0, v33  }
0x3d: {  	v3 =	vor.u32 v3, v4  }
0x3e: {  	v4 =	vperm.xlane v3, v0;
	_ =	sdelay $0x1  }
0x3f: {  	v3 =	vperm.xlane v3, v2;
	v4 =	vadd.s32 v1, v4;
	_ =	sdelay $0x1  }
0x40: {  	v3 =	vadd.s32 v1, v3;
	_ =	sdelay $0x2  }
0x41: {  	[tilespmem:s16], [sflag:$0x1] =	stream.indirect_vreg.gather [hbm4b:s2+s3], $0x80, v4, vm0, $0xb8;
	[tilespmem:$0x18400] =	vst v63  }
0x42: {  	_ = 	snop  }
0x43: {  	[tilespmem:s17], [sflag:$0x1] =	stream.indirect_vreg.gather [hbm4b:s2+s3], $0x80, v3, vm0, $0xb8;
	[tilespmem:$0x18400] =	vst v63  }
0x44: {  	v3 =	vld [tilespmem:$0x20];
	_ =	sdelay $0x4  }
0x45: {  	v34 =	vshll.u32 v3, $0x1  }
0x46: {  	v3 =	vand.u32 $0x7, v3;
	v4 =	vand.u32 $0xFFFFFFF0, v34  }
0x47: {  	v3 =	vor.u32 v3, v4  }
0x48: {  	v4 =	vperm.xlane v3, v0;
	_ =	sdelay $0x1  }
0x49: {  	v3 =	vperm.xlane v3, v2;
	v4 =	vadd.s32 v1, v4;
	_ =	sdelay $0x1  }
0x4a: {  	v3 =	vadd.s32 v1, v3;
	_ =	sdelay $0x2  }
0x4b: {  	[tilespmem:s18], [sflag:$0x1] =	stream.indirect_vreg.gather [hbm4b:s2+s3], $0x80, v4, vm0, $0xb8;
	[tilespmem:$0x18400] =	vst v63  }
0x4c: {  	_ = 	snop  }
0x4d: {  	[tilespmem:s19], [sflag:$0x1] =	stream.indirect_vreg.gather [hbm4b:s2+s3], $0x80, v3, vm0, $0xb8;
	[tilespmem:$0x18400] =	vst v63  }
0x4e: {  	v3 =	vld [tilespmem:$0x30];
	_ =	sdelay $0x4  }
0x4f: {  	v35 =	vshll.u32 v3, $0x1  }
0x50: {  	v3 =	vand.u32 $0x7, v3;
	v4 =	vand.u32 $0xFFFFFFF0, v35  }
0x51: {  	v3 =	vor.u32 v3, v4  }
0x52: {  	v4 =	vperm.xlane v3, v0;
	_ =	sdelay $0x1  }
0x53: {  	v3 =	vperm.xlane v3, v2;
	v4 =	vadd.s32 v1, v4;
	_ =	sdelay $0x1  }
0x54: {  	v3 =	vadd.s32 v1, v3;
	_ =	sdelay $0x2  }
0x55: {  	[tilespmem:s20], [sflag:$0x1] =	stream.indirect_vreg.gather [hbm4b:s2+s3], $0x80, v4, vm0, $0xb8;
	[tilespmem:$0x18400] =	vst v63  }
0x56: {  	_ = 	snop  }
0x57: {  	[tilespmem:s21], [sflag:$0x1] =	stream.indirect_vreg.gather [hbm4b:s2+s3], $0x80, v3, vm0, $0xb8;
	[tilespmem:$0x18400] =	vst v63  }
0x58: {  	v3 =	vld [tilespmem:$0x80];
	_ =	sdelay $0x4  }
0x59: {  	v36 =	vshll.u32 v3, $0x1  }
0x5a: {  	v3 =	vand.u32 $0x7, v3;
	v4 =	vand.u32 $0xFFFFFFF0, v36  }
0x5b: {  	v3 =	vor.u32 v3, v4  }
0x5c: {  	v4 =	vperm.xlane v3, v0;
	_ =	sdelay $0x1  }
0x5d: {  	v3 =	vperm.xlane v3, v2;
	v4 =	vadd.s32 v1, v4;
	_ =	sdelay $0x1  }
0x5e: {  	v3 =	vadd.s32 v1, v3;
	_ =	sdelay $0x2  }
0x5f: {  	[tilespmem:s14], [sflag:$0x2] =	stream.indirect_vreg.gather [hbm4b:s2+s3], $0x80, v4, vm0, $0xb8;
	[tilespmem:$0x18400] =	vst v63  }
0x60: {  	_ = 	snop  }
0x61: {  	[tilespmem:s22], [sflag:$0x2] =	stream.indirect_vreg.gather [hbm4b:s2+s3], $0x80, v3, vm0, $0xb8;
	[tilespmem:$0x18400] =	vst v63  }
0x62: {  	v3 =	vld [tilespmem:$0x90];
	_ =	sdelay $0x4  }
0x63: {  	v37 =	vshll.u32 v3, $0x1  }
0x64: {  	v3 =	vand.u32 $0x7, v3;
	v4 =	vand.u32 $0xFFFFFFF0, v37  }
0x65: {  	v3 =	vor.u32 v3, v4  }
0x66: {  	v4 =	vperm.xlane v3, v0;
	_ =	sdelay $0x1  }
0x67: {  	v3 =	vperm.xlane v3, v2;
	v4 =	vadd.s32 v1, v4;
	_ =	sdelay $0x1  }
0x68: {  	v3 =	vadd.s32 v1, v3;
	_ =	sdelay $0x2  }
0x69: {  	[tilespmem:s23], [sflag:$0x2] =	stream.indirect_vreg.gather [hbm4b:s2+s3], $0x80, v4, vm0, $0xb8;
	[tilespmem:$0x18400] =	vst v63  }
0x6a: {  	_ = 	snop  }
0x6b: {  	[tilespmem:s24], [sflag:$0x2] =	stream.indirect_vreg.gather [hbm4b:s2+s3], $0x80, v3, vm0, $0xb8;
	[tilespmem:$0x18400] =	vst v63  }
0x6c: {  	v3 =	vld [tilespmem:$0xA0];
	_ =	sdelay $0x4  }
0x6d: {  	v38 =	vshll.u32 v3, $0x1  }
0x6e: {  	v3 =	vand.u32 $0x7, v3;
	v4 =	vand.u32 $0xFFFFFFF0, v38  }
0x6f: {  	v3 =	vor.u32 v3, v4  }
0x70: {  	v4 =	vperm.xlane v3, v0;
	_ =	sdelay $0x1  }
0x71: {  	v3 =	vperm.xlane v3, v2;
	v4 =	vadd.s32 v1, v4;
	_ =	sdelay $0x1  }
0x72: {  	v3 =	vadd.s32 v1, v3;
	_ =	sdelay $0x2  }
0x73: {  	[tilespmem:s25], [sflag:$0x2] =	stream.indirect_vreg.gather [hbm4b:s2+s3], $0x80, v4, vm0, $0xb8;
	[tilespmem:$0x18400] =	vst v63  }
0x74: {  	s5 =	simm.s32 $0x6C00  }
0x75: {  	[tilespmem:s5], [sflag:$0x2] =	stream.indirect_vreg.gather [hbm4b:s2+s3], $0x80, v3, vm0, $0xb8;
	[tilespmem:$0x18400] =	vst v63  }
0x76: {  	v3 =	vld [tilespmem:$0xB0];
	_ =	sdelay $0x4  }
0x77: {  	v39 =	vshll.u32 v3, $0x1  }
0x78: {  	v3 =	vand.u32 $0x7, v3;
	v4 =	vand.u32 $0xFFFFFFF0, v39  }
0x79: {  	v3 =	vor.u32 v3, v4  }
0x7a: {  	v4 =	vperm.xlane v3, v0;
	_ =	sdelay $0x1  }
0x7b: {  	v3 =	vperm.xlane v3, v2;
	v4 =	vadd.s32 v1, v4;
	_ =	sdelay $0x1  }
0x7c: {  	v3 =	vadd.s32 v1, v3;
	_ =	sdelay $0x2  }
0x7d: {  	[tilespmem:s31], [sflag:$0x2] =	stream.indirect_vreg.gather [hbm4b:s2+s3], $0x80, v4, vm0, $0xb8;
	[tilespmem:$0x18400] =	vst v63  }
0x7e: {  	s1 =	simm.s32 $0x7C00  }
0x7f: {  	[tilespmem:s1], [sflag:$0x2] =	stream.indirect_vreg.gather [hbm4b:s2+s3], $0x80, v3, vm0, $0xb8;
	[tilespmem:$0x18400] =	vst v63  }
0x80: {  	v3 =	vld [tilespmem:$0x100];
	_ =	sdelay $0x4  }
0x81: {  	v40 =	vshll.u32 v3, $0x1  }
0x82: {  	v3 =	vand.u32 $0x7, v3;
	v4 =	vand.u32 $0xFFFFFFF0, v40  }
0x83: {  	v3 =	vor.u32 v3, v4  }
0x84: {  	v4 =	vperm.xlane v3, v0;
	_ =	sdelay $0x1  }
0x85: {  	v3 =	vperm.xlane v3, v2;
	v4 =	vadd.s32 v1, v4;
	_ =	sdelay $0x1  }
0x86: {  	v3 =	vadd.s32 v1, v3;
	_ =	sdelay $0x1  }
0x87: {  	s0 =	simm.s32 $0x8400  }
0x88: {  	[tilespmem:s0], [sflag:$0x3] =	stream.indirect_vreg.gather [hbm4b:s2+s3], $0x80, v4, vm0, $0xb8;
	[tilespmem:$0x18400] =	vst v63  }
0x89: {  	s13 =	rddreg [dreg:$0xd]  }
0x8a: {  	[tilespmem:s13], [sflag:$0x3] =	stream.indirect_vreg.gather [hbm4b:s2+s3], $0x80, v3, vm0, $0xb8;
	[tilespmem:$0x18400] =	vst v63  }
0x8b: {  	v3 =	vld [tilespmem:$0x110];
	_ =	sdelay $0x4  }
0x8c: {  	v41 =	vshll.u32 v3, $0x1  }
0x8d: {  	v3 =	vand.u32 $0x7, v3;
	v4 =	vand.u32 $0xFFFFFFF0, v41  }
0x8e: {  	v3 =	vor.u32 v3, v4  }
0x8f: {  	v4 =	vperm.xlane v3, v0;
	_ =	sdelay $0x1  }
0x90: {  	v3 =	vperm.xlane v3, v2;
	v4 =	vadd.s32 v1, v4;
	_ =	sdelay $0x1  }
0x91: {  	v3 =	vadd.s32 v1, v3;
	_ =	sdelay $0x1  }
0x92: {  	s12 =	rddreg [dreg:$0xe]  }
0x93: {  	[tilespmem:s12], [sflag:$0x3] =	stream.indirect_vreg.gather [hbm4b:s2+s3], $0x80, v4, vm0, $0xb8;
	[tilespmem:$0x18400] =	vst v63  }
0x94: {  	s13 =	rddreg [dreg:$0xf]  }
0x95: {  	[tilespmem:s13], [sflag:$0x3] =	stream.indirect_vreg.gather [hbm4b:s2+s3], $0x80, v3, vm0, $0xb8;
	[tilespmem:$0x18400] =	vst v63  }
0x96: {  	v3 =	vld [tilespmem:$0x120];
	_ =	sdelay $0x4  }
0x97: {  	v42 =	vshll.u32 v3, $0x1  }
0x98: {  	v3 =	vand.u32 $0x7, v3;
	v4 =	vand.u32 $0xFFFFFFF0, v42  }
0x99: {  	v3 =	vor.u32 v3, v4  }
0x9a: {  	v4 =	vperm.xlane v3, v0;
	_ =	sdelay $0x1  }
0x9b: {  	v3 =	vperm.xlane v3, v2;
	v4 =	vadd.s32 v1, v4;
	_ =	sdelay $0x1  }
0x9c: {  	v3 =	vadd.s32 v1, v3;
	_ =	sdelay $0x1  }
0x9d: {  	s12 =	rddreg [dreg:$0x10]  }
0x9e: {  	[tilespmem:s12], [sflag:$0x3] =	stream.indirect_vreg.gather [hbm4b:s2+s3], $0x80, v4, vm0, $0xb8;
	[tilespmem:$0x18400] =	vst v63  }
0x9f: {  	s13 =	rddreg [dreg:$0x11]  }
0xa0: {  	[tilespmem:s13], [sflag:$0x3] =	stream.indirect_vreg.gather [hbm4b:s2+s3], $0x80, v3, vm0, $0xb8;
	[tilespmem:$0x18400] =	vst v63  }
0xa1: {  	v3 =	vld [tilespmem:$0x130];
	_ =	sdelay $0x4  }
0xa2: {  	v43 =	vshll.u32 v3, $0x1  }
0xa3: {  	v3 =	vand.u32 $0x7, v3;
	v4 =	vand.u32 $0xFFFFFFF0, v43  }
0xa4: {  	v3 =	vor.u32 v3, v4  }
0xa5: {  	v4 =	vperm.xlane v3, v0;
	_ =	sdelay $0x1  }
0xa6: {  	v3 =	vperm.xlane v3, v2;
	v4 =	vadd.s32 v1, v4;
	_ =	sdelay $0x1  }
0xa7: {  	v3 =	vadd.s32 v1, v3;
	_ =	sdelay $0x1  }
0xa8: {  	s12 =	rddreg [dreg:$0x12]  }
0xa9: {  	[tilespmem:s12], [sflag:$0x3] =	stream.indirect_vreg.gather [hbm4b:s2+s3], $0x80, v4, vm0, $0xb8;
	[tilespmem:$0x18400] =	vst v63  }
0xaa: {  	s13 =	rddreg [dreg:$0x13]  }
0xab: {  	[tilespmem:s13], [sflag:$0x3] =	stream.indirect_vreg.gather [hbm4b:s2+s3], $0x80, v3, vm0, $0xb8;
	[tilespmem:$0x18400] =	vst v63  }
0xac: {  	v3 =	vld [tilespmem:$0x180];
	_ =	sdelay $0x4  }
0xad: {  	v44 =	vshll.u32 v3, $0x1  }
0xae: {  	v3 =	vand.u32 $0x7, v3;
	v4 =	vand.u32 $0xFFFFFFF0, v44  }
0xaf: {  	v3 =	vor.u32 v3, v4  }
0xb0: {  	v4 =	vperm.xlane v3, v0;
	_ =	sdelay $0x1  }
0xb1: {  	v3 =	vperm.xlane v3, v2;
	v4 =	vadd.s32 v1, v4;
	_ =	sdelay $0x1  }
0xb2: {  	v3 =	vadd.s32 v1, v3;
	_ =	sdelay $0x2  }
0xb3: {  	[tilespmem:s7], [sflag:$0x4] =	stream.indirect_vreg.gather [hbm4b:s2+s3], $0x80, v4, vm0, $0xb8;
	[tilespmem:$0x18400] =	vst v63  }
0xb4: {  	s13 =	rddreg [dreg:$0x14]  }
0xb5: {  	[tilespmem:s13], [sflag:$0x4] =	stream.indirect_vreg.gather [hbm4b:s2+s3], $0x80, v3, vm0, $0xb8;
	[tilespmem:$0x18400] =	vst v63  }
0xb6: {  	v3 =	vld [tilespmem:$0x190];
	_ =	sdelay $0x4  }
0xb7: {  	v45 =	vshll.u32 v3, $0x1  }
0xb8: {  	v3 =	vand.u32 $0x7, v3;
	v4 =	vand.u32 $0xFFFFFFF0, v45  }
0xb9: {  	v3 =	vor.u32 v3, v4  }
0xba: {  	v4 =	vperm.xlane v3, v0;
	_ =	sdelay $0x1  }
0xbb: {  	v3 =	vperm.xlane v3, v2;
	v4 =	vadd.s32 v1, v4;
	_ =	sdelay $0x1  }
0xbc: {  	v3 =	vadd.s32 v1, v3;
	_ =	sdelay $0x1  }
0xbd: {  	s12 =	rddreg [dreg:$0x15]  }
0xbe: {  	[tilespmem:s12], [sflag:$0x4] =	stream.indirect_vreg.gather [hbm4b:s2+s3], $0x80, v4, vm0, $0xb8;
	[tilespmem:$0x18400] =	vst v63  }
0xbf: {  	s13 =	rddreg [dreg:$0x16]  }
0xc0: {  	[tilespmem:s13], [sflag:$0x4] =	stream.indirect_vreg.gather [hbm4b:s2+s3], $0x80, v3, vm0, $0xb8;
	[tilespmem:$0x18400] =	vst v63  }
0xc1: {  	v3 =	vld [tilespmem:$0x1A0];
	_ =	sdelay $0x4  }
0xc2: {  	v46 =	vshll.u32 v3, $0x1  }
0xc3: {  	v3 =	vand.u32 $0x7, v3;
	v4 =	vand.u32 $0xFFFFFFF0, v46  }
0xc4: {  	v3 =	vor.u32 v3, v4  }
0xc5: {  	v4 =	vperm.xlane v3, v0;
	_ =	sdelay $0x1  }
0xc6: {  	v3 =	vperm.xlane v3, v2;
	v4 =	vadd.s32 v1, v4;
	_ =	sdelay $0x1  }
0xc7: {  	v3 =	vadd.s32 v1, v3;
	_ =	sdelay $0x1  }
0xc8: {  	s12 =	rddreg [dreg:$0x17]  }
0xc9: {  	[tilespmem:s12], [sflag:$0x4] =	stream.indirect_vreg.gather [hbm4b:s2+s3], $0x80, v4, vm0, $0xb8;
	[tilespmem:$0x18400] =	vst v63  }
0xca: {  	s13 =	rddreg [dreg:$0x18]  }
0xcb: {  	[tilespmem:s13], [sflag:$0x4] =	stream.indirect_vreg.gather [hbm4b:s2+s3], $0x80, v3, vm0, $0xb8;
	[tilespmem:$0x18400] =	vst v63  }
0xcc: {  	v3 =	vld [tilespmem:$0x1B0];
	_ =	sdelay $0x4  }
0xcd: {  	v47 =	vshll.u32 v3, $0x1  }
0xce: {  	v3 =	vand.u32 $0x7, v3;
	v4 =	vand.u32 $0xFFFFFFF0, v47  }
0xcf: {  	v3 =	vor.u32 v3, v4  }
0xd0: {  	v4 =	vperm.xlane v3, v0;
	_ =	sdelay $0x1  }
0xd1: {  	v3 =	vperm.xlane v3, v2;
	v4 =	vadd.s32 v1, v4;
	_ =	sdelay $0x1  }
0xd2: {  	v3 =	vadd.s32 v1, v3;
	_ =	sdelay $0x1  }
0xd3: {  	s12 =	rddreg [dreg:$0x19]  }
0xd4: {  	[tilespmem:s12], [sflag:$0x4] =	stream.indirect_vreg.gather [hbm4b:s2+s3], $0x80, v4, vm0, $0xb8;
	[tilespmem:$0x18400] =	vst v63  }
0xd5: {  	s13 =	rddreg [dreg:$0x1a]  }
0xd6: {  	[tilespmem:s13], [sflag:$0x4] =	stream.indirect_vreg.gather [hbm4b:s2+s3], $0x80, v3, vm0, $0xb8;
	[tilespmem:$0x18400] =	vst v63  }
0xd7: {  	v3 =	vld [tilespmem:$0x200];
	_ =	sdelay $0x4  }
0xd8: {  	v48 =	vshll.u32 v3, $0x1  }
0xd9: {  	v3 =	vand.u32 $0x7, v3;
	v4 =	vand.u32 $0xFFFFFFF0, v48  }
0xda: {  	v3 =	vor.u32 v3, v4  }
0xdb: {  	v4 =	vperm.xlane v3, v0;
	_ =	sdelay $0x1  }
0xdc: {  	v3 =	vperm.xlane v3, v2;
	v4 =	vadd.s32 v1, v4;
	_ =	sdelay $0x1  }
0xdd: {  	v3 =	vadd.s32 v1, v3;
	_ =	sdelay $0x2  }
0xde: {  	[tilespmem:s8], [sflag:$0x5] =	stream.indirect_vreg.gather [hbm4b:s2+s3], $0x80, v4, vm0, $0xb8;
	[tilespmem:$0x18400] =	vst v63  }
0xdf: {  	s13 =	rddreg [dreg:$0x1b]  }
0xe0: {  	[tilespmem:s13], [sflag:$0x5] =	stream.indirect_vreg.gather [hbm4b:s2+s3], $0x80, v3, vm0, $0xb8;
	[tilespmem:$0x18400] =	vst v63  }
0xe1: {  	v3 =	vld [tilespmem:$0x210];
	_ =	sdelay $0x4  }
0xe2: {  	v49 =	vshll.u32 v3, $0x1  }
0xe3: {  	v3 =	vand.u32 $0x7, v3;
	v4 =	vand.u32 $0xFFFFFFF0, v49  }
0xe4: {  	v3 =	vor.u32 v3, v4  }
0xe5: {  	v4 =	vperm.xlane v3, v0;
	_ =	sdelay $0x1  }
0xe6: {  	v3 =	vperm.xlane v3, v2;
	v4 =	vadd.s32 v1, v4;
	_ =	sdelay $0x1  }
0xe7: {  	v3 =	vadd.s32 v1, v3;
	_ =	sdelay $0x1  }
0xe8: {  	s12 =	rddreg [dreg:$0x1c]  }
0xe9: {  	[tilespmem:s12], [sflag:$0x5] =	stream.indirect_vreg.gather [hbm4b:s2+s3], $0x80, v4, vm0, $0xb8;
	[tilespmem:$0x18400] =	vst v63  }
0xea: {  	s13 =	rddreg [dreg:$0x1d]  }
0xeb: {  	[tilespmem:s13], [sflag:$0x5] =	stream.indirect_vreg.gather [hbm4b:s2+s3], $0x80, v3, vm0, $0xb8;
	[tilespmem:$0x18400] =	vst v63  }
0xec: {  	v3 =	vld [tilespmem:$0x220];
	_ =	sdelay $0x4  }
0xed: {  	v50 =	vshll.u32 v3, $0x1  }
0xee: {  	v3 =	vand.u32 $0x7, v3;
	v4 =	vand.u32 $0xFFFFFFF0, v50  }
0xef: {  	v3 =	vor.u32 v3, v4  }
0xf0: {  	v4 =	vperm.xlane v3, v0;
	_ =	sdelay $0x1  }
0xf1: {  	v3 =	vperm.xlane v3, v2;
	v4 =	vadd.s32 v1, v4;
	_ =	sdelay $0x1  }
0xf2: {  	v3 =	vadd.s32 v1, v3;
	_ =	sdelay $0x1  }
0xf3: {  	s12 =	rddreg [dreg:$0x1e]  }
0xf4: {  	[tilespmem:s12], [sflag:$0x5] =	stream.indirect_vreg.gather [hbm4b:s2+s3], $0x80, v4, vm0, $0xb8;
	[tilespmem:$0x18400] =	vst v63  }
0xf5: {  	s13 =	rddreg [dreg:$0x1f]  }
0xf6: {  	[tilespmem:s13], [sflag:$0x5] =	stream.indirect_vreg.gather [hbm4b:s2+s3], $0x80, v3, vm0, $0xb8;
	[tilespmem:$0x18400] =	vst v63  }
0xf7: {  	v3 =	vld [tilespmem:$0x230];
	_ =	sdelay $0x4  }
0xf8: {  	v51 =	vshll.u32 v3, $0x1  }
0xf9: {  	v3 =	vand.u32 $0x7, v3;
	v4 =	vand.u32 $0xFFFFFFF0, v51  }
0xfa: {  	v3 =	vor.u32 v3, v4  }
0xfb: {  	v4 =	vperm.xlane v3, v0;
	_ =	sdelay $0x1  }
0xfc: {  	v3 =	vperm.xlane v3, v2;
	v4 =	vadd.s32 v1, v4;
	_ =	sdelay $0x1  }
0xfd: {  	s12 =	sld [smem:$0x7F5];
	v3 =	vadd.s32 v1, v3;
	_ =	sdelay $0x1  }
0xfe: {  	s13 =	sld [smem:$0x7F6]  }
0xff: {  	[tilespmem:s12], [sflag:$0x5] =	stream.indirect_vreg.gather [hbm4b:s2+s3], $0x80, v4, vm0, $0xb8;
	[tilespmem:$0x18400] =	vst v63  }
0x100: {  	_ = 	snop  }
0x101: {  	[tilespmem:s13], [sflag:$0x5] =	stream.indirect_vreg.gather [hbm4b:s2+s3], $0x80, v3, vm0, $0xb8;
	[tilespmem:$0x18400] =	vst v63  }
0x102: {  	v3 =	vld [tilespmem:$0x280];
	_ =	sdelay $0x4  }
0x103: {  	v52 =	vshll.u32 v3, $0x1  }
0x104: {  	v3 =	vand.u32 $0x7, v3;
	v4 =	vand.u32 $0xFFFFFFF0, v52  }
0x105: {  	v3 =	vor.u32 v3, v4  }
0x106: {  	v4 =	vperm.xlane v3, v0;
	_ =	sdelay $0x1  }
0x107: {  	v3 =	vperm.xlane v3, v2;
	v4 =	vadd.s32 v1, v4;
	_ =	sdelay $0x1  }
0x108: {  	v3 =	vadd.s32 v1, v3;
	_ =	sdelay $0x1  }
0x109: {  	s13 =	sld [smem:$0x7F7]  }
0x10a: {  	[tilespmem:s9], [sflag:$0x6] =	stream.indirect_vreg.gather [hbm4b:s2+s3], $0x80, v4, vm0, $0xb8;
	[tilespmem:$0x18400] =	vst v63  }
0x10b: {  	_ = 	snop  }
0x10c: {  	[tilespmem:s13], [sflag:$0x6] =	stream.indirect_vreg.gather [hbm4b:s2+s3], $0x80, v3, vm0, $0xb8;
	[tilespmem:$0x18400] =	vst v63  }
0x10d: {  	v3 =	vld [tilespmem:$0x290];
	_ =	sdelay $0x4  }
0x10e: {  	v53 =	vshll.u32 v3, $0x1  }
0x10f: {  	v3 =	vand.u32 $0x7, v3;
	v4 =	vand.u32 $0xFFFFFFF0, v53  }
0x110: {  	v3 =	vor.u32 v3, v4  }
0x111: {  	v4 =	vperm.xlane v3, v0;
	_ =	sdelay $0x1  }
0x112: {  	v3 =	vperm.xlane v3, v2;
	v4 =	vadd.s32 v1, v4;
	_ =	sdelay $0x1  }
0x113: {  	s12 =	sld [smem:$0x7F8];
	v3 =	vadd.s32 v1, v3;
	_ =	sdelay $0x1  }
0x114: {  	s13 =	sld [smem:$0x7F9]  }
0x115: {  	[tilespmem:s12], [sflag:$0x6] =	stream.indirect_vreg.gather [hbm4b:s2+s3], $0x80, v4, vm0, $0xb8;
	[tilespmem:$0x18400] =	vst v63  }
0x116: {  	_ = 	snop  }
0x117: {  	[tilespmem:s13], [sflag:$0x6] =	stream.indirect_vreg.gather [hbm4b:s2+s3], $0x80, v3, vm0, $0xb8;
	[tilespmem:$0x18400] =	vst v63  }
0x118: {  	v3 =	vld [tilespmem:$0x2A0];
	_ =	sdelay $0x4  }
0x119: {  	v54 =	vshll.u32 v3, $0x1  }
0x11a: {  	v3 =	vand.u32 $0x7, v3;
	v4 =	vand.u32 $0xFFFFFFF0, v54  }
0x11b: {  	v3 =	vor.u32 v3, v4  }
0x11c: {  	v4 =	vperm.xlane v3, v0;
	_ =	sdelay $0x1  }
0x11d: {  	v3 =	vperm.xlane v3, v2;
	v4 =	vadd.s32 v1, v4;
	_ =	sdelay $0x1  }
0x11e: {  	s12 =	sld [smem:$0x7FA];
	v3 =	vadd.s32 v1, v3;
	_ =	sdelay $0x1  }
0x11f: {  	s13 =	sld [smem:$0x7FB]  }
0x120: {  	[tilespmem:s12], [sflag:$0x6] =	stream.indirect_vreg.gather [hbm4b:s2+s3], $0x80, v4, vm0, $0xb8;
	[tilespmem:$0x18400] =	vst v63  }
0x121: {  	_ = 	snop  }
0x122: {  	[tilespmem:s13], [sflag:$0x6] =	stream.indirect_vreg.gather [hbm4b:s2+s3], $0x80, v3, vm0, $0xb8;
	[tilespmem:$0x18400] =	vst v63  }
0x123: {  	v3 =	vld [tilespmem:$0x2B0];
	_ =	sdelay $0x4  }
0x124: {  	v55 =	vshll.u32 v3, $0x1  }
0x125: {  	v3 =	vand.u32 $0x7, v3;
	v4 =	vand.u32 $0xFFFFFFF0, v55  }
0x126: {  	v3 =	vor.u32 v3, v4  }
0x127: {  	v4 =	vperm.xlane v3, v0;
	_ =	sdelay $0x1  }
0x128: {  	v3 =	vperm.xlane v3, v2;
	v4 =	vadd.s32 v1, v4;
	_ =	sdelay $0x1  }
0x129: {  	s12 =	sld [smem:$0x7FC];
	v3 =	vadd.s32 v1, v3;
	_ =	sdelay $0x1  }
0x12a: {  	s13 =	sld [smem:$0x7FD]  }
0x12b: {  	[tilespmem:s12], [sflag:$0x6] =	stream.indirect_vreg.gather [hbm4b:s2+s3], $0x80, v4, vm0, $0xb8;
	[tilespmem:$0x18400] =	vst v63  }
0x12c: {  	_ = 	snop  }
0x12d: {  	[tilespmem:s13], [sflag:$0x6] =	stream.indirect_vreg.gather [hbm4b:s2+s3], $0x80, v3, vm0, $0xb8;
	[tilespmem:$0x18400] =	vst v63  }
0x12e: {  	_ =	swait.ge [sflag:s26], $0x4000  }
0x12f: {  	[sflag:s26] =	ssyncset.done $0x0  }
0x130: {  	s13 =	rddreg [dreg:$0x5];
	[sflag:s26] =	ssyncadd.s32 $0xFFFFC000  }
0x131: {  	[hbm4b:s13+s3] =	stream.linear.scatter [tilespmem:s6], [sflag:$0x7], $0x4000, $0x38;
	[tilespmem:$0x18400] =	vst v63  }
0x132: {  	_ =	swait.ge [sflag:s28], $0x4000  }
0x133: {  	[sflag:s28] =	ssyncset.done $0x0  }
0x134: {  	[sflag:s28] =	ssyncadd.s32 $0xFFFFC000  }
0x135: {  	v3 =	vld [tilespmem:$0x300];
	_ =	sdelay $0x4  }
0x136: {  	v56 =	vshll.u32 v3, $0x1  }
0x137: {  	v3 =	vand.u32 $0x7, v3;
	v4 =	vand.u32 $0xFFFFFFF0, v56  }
0x138: {  	v3 =	vor.u32 v3, v4  }
0x139: {  	v4 =	vperm.xlane v3, v0;
	_ =	sdelay $0x1  }
0x13a: {  	v3 =	vperm.xlane v3, v2;
	v4 =	vadd.s32 v1, v4;
	_ =	sdelay $0x1  }
0x13b: {  	v3 =	vadd.s32 v1, v3;
	_ =	sdelay $0x2  }
0x13c: {  	[tilespmem:s6], [sflag:$0x1] =	stream.indirect_vreg.gather [hbm4b:s2+s3], $0x80, v4, vm0, $0xb8;
	[tilespmem:$0x18400] =	vst v63  }
0x13d: {  	_ = 	snop  }
0x13e: {  	[tilespmem:s15], [sflag:$0x1] =	stream.indirect_vreg.gather [hbm4b:s2+s3], $0x80, v3, vm0, $0xb8;
	[tilespmem:$0x18400] =	vst v63  }
0x13f: {  	v3 =	vld [tilespmem:$0x310];
	_ =	sdelay $0x4  }
0x140: {  	v57 =	vshll.u32 v3, $0x1  }
0x141: {  	v3 =	vand.u32 $0x7, v3;
	v4 =	vand.u32 $0xFFFFFFF0, v57  }
0x142: {  	v3 =	vor.u32 v3, v4  }
0x143: {  	v4 =	vperm.xlane v3, v0;
	_ =	sdelay $0x1  }
0x144: {  	v3 =	vperm.xlane v3, v2;
	v4 =	vadd.s32 v1, v4;
	_ =	sdelay $0x1  }
0x145: {  	v3 =	vadd.s32 v1, v3;
	_ =	sdelay $0x2  }
0x146: {  	[tilespmem:s16], [sflag:$0x1] =	stream.indirect_vreg.gather [hbm4b:s2+s3], $0x80, v4, vm0, $0xb8;
	[tilespmem:$0x18400] =	vst v63  }
0x147: {  	_ = 	snop  }
0x148: {  	[tilespmem:s17], [sflag:$0x1] =	stream.indirect_vreg.gather [hbm4b:s2+s3], $0x80, v3, vm0, $0xb8;
	[tilespmem:$0x18400] =	vst v63  }
0x149: {  	v3 =	vld [tilespmem:$0x320];
	_ =	sdelay $0x4  }
0x14a: {  	v58 =	vshll.u32 v3, $0x1  }
0x14b: {  	v3 =	vand.u32 $0x7, v3;
	v4 =	vand.u32 $0xFFFFFFF0, v58  }
0x14c: {  	v3 =	vor.u32 v3, v4  }
0x14d: {  	v4 =	vperm.xlane v3, v0;
	_ =	sdelay $0x1  }
0x14e: {  	v3 =	vperm.xlane v3, v2;
	v4 =	vadd.s32 v1, v4;
	_ =	sdelay $0x1  }
0x14f: {  	v3 =	vadd.s32 v1, v3;
	_ =	sdelay $0x2  }
0x150: {  	[tilespmem:s18], [sflag:$0x1] =	stream.indirect_vreg.gather [hbm4b:s2+s3], $0x80, v4, vm0, $0xb8;
	[tilespmem:$0x18400] =	vst v63  }
0x151: {  	_ = 	snop  }
0x152: {  	[tilespmem:s19], [sflag:$0x1] =	stream.indirect_vreg.gather [hbm4b:s2+s3], $0x80, v3, vm0, $0xb8;
	[tilespmem:$0x18400] =	vst v63  }
0x153: {  	v3 =	vld [tilespmem:$0x330];
	_ =	sdelay $0x4  }
0x154: {  	v59 =	vshll.u32 v3, $0x1  }
0x155: {  	v3 =	vand.u32 $0x7, v3;
	v4 =	vand.u32 $0xFFFFFFF0, v59  }
0x156: {  	v3 =	vor.u32 v3, v4  }
0x157: {  	v4 =	vperm.xlane v3, v0;
	_ =	sdelay $0x1  }
0x158: {  	v3 =	vperm.xlane v3, v2;
	v4 =	vadd.s32 v1, v4;
	_ =	sdelay $0x1  }
0x159: {  	v3 =	vadd.s32 v1, v3;
	_ =	sdelay $0x2  }
0x15a: {  	[tilespmem:s20], [sflag:$0x1] =	stream.indirect_vreg.gather [hbm4b:s2+s3], $0x80, v4, vm0, $0xb8;
	[tilespmem:$0x18400] =	vst v63  }
0x15b: {  	_ = 	snop  }
0x15c: {  	[tilespmem:s21], [sflag:$0x1] =	stream.indirect_vreg.gather [hbm4b:s2+s3], $0x80, v3, vm0, $0xb8;
	[tilespmem:$0x18400] =	vst v63  }
0x15d: {  	_ =	swait.ge [sflag:s29], $0x4000  }
0x15e: {  	[sflag:s29] =	ssyncset.done $0x0  }
0x15f: {  	s13 =	rddreg [dreg:$0x6];
	[sflag:s29] =	ssyncadd.s32 $0xFFFFC000  }
0x160: {  	[hbm4b:s13+s3] =	stream.linear.scatter [tilespmem:s14], [sflag:$0x8], $0x4000, $0x38;
	[tilespmem:$0x18400] =	vst v63  }
0x161: {  	_ =	swait.ge [sflag:s30], $0x4000  }
0x162: {  	[sflag:s30] =	ssyncset.done $0x0  }
0x163: {  	[sflag:s30] =	ssyncadd.s32 $0xFFFFC000  }
0x164: {  	v3 =	vld [tilespmem:$0x380];
	_ =	sdelay $0x4  }
0x165: {  	v60 =	vshll.u32 v3, $0x1  }
0x166: {  	v3 =	vand.u32 $0x7, v3;
	v4 =	vand.u32 $0xFFFFFFF0, v60  }
0x167: {  	v3 =	vor.u32 v3, v4  }
0x168: {  	v4 =	vperm.xlane v3, v0;
	_ =	sdelay $0x1  }
0x169: {  	v3 =	vperm.xlane v3, v2;
	v4 =	vadd.s32 v1, v4;
	_ =	sdelay $0x1  }
0x16a: {  	v3 =	vadd.s32 v1, v3;
	_ =	sdelay $0x2  }
0x16b: {  	[tilespmem:s14], [sflag:$0x2] =	stream.indirect_vreg.gather [hbm4b:s2+s3], $0x80, v4, vm0, $0xb8;
	[tilespmem:$0x18400] =	vst v63  }
0x16c: {  	_ = 	snop  }
0x16d: {  	[tilespmem:s22], [sflag:$0x2] =	stream.indirect_vreg.gather [hbm4b:s2+s3], $0x80, v3, vm0, $0xb8;
	[tilespmem:$0x18400] =	vst v63  }
0x16e: {  	v3 =	vld [tilespmem:$0x390];
	_ =	sdelay $0x4  }
0x16f: {  	v61 =	vshll.u32 v3, $0x1  }
0x170: {  	v3 =	vand.u32 $0x7, v3;
	v4 =	vand.u32 $0xFFFFFFF0, v61  }
0x171: {  	v3 =	vor.u32 v3, v4  }
0x172: {  	v4 =	vperm.xlane v3, v0;
	_ =	sdelay $0x1  }
0x173: {  	v3 =	vperm.xlane v3, v2;
	v4 =	vadd.s32 v1, v4;
	_ =	sdelay $0x1  }
0x174: {  	v3 =	vadd.s32 v1, v3;
	_ =	sdelay $0x2  }
0x175: {  	[tilespmem:s23], [sflag:$0x2] =	stream.indirect_vreg.gather [hbm4b:s2+s3], $0x80, v4, vm0, $0xb8;
	[tilespmem:$0x18400] =	vst v63  }
0x176: {  	_ = 	snop  }
0x177: {  	[tilespmem:s24], [sflag:$0x2] =	stream.indirect_vreg.gather [hbm4b:s2+s3], $0x80, v3, vm0, $0xb8;
	[tilespmem:$0x18400] =	vst v63  }
0x178: {  	v3 =	vld [tilespmem:$0x3A0];
	_ =	sdelay $0x4  }
0x179: {  	v62 =	vshll.u32 v3, $0x1  }
0x17a: {  	v3 =	vand.u32 $0x7, v3;
	v4 =	vand.u32 $0xFFFFFFF0, v62  }
0x17b: {  	v3 =	vor.u32 v3, v4  }
0x17c: {  	v4 =	vperm.xlane v3, v0;
	_ =	sdelay $0x1  }
0x17d: {  	v3 =	vperm.xlane v3, v2;
	v4 =	vadd.s32 v1, v4;
	_ =	sdelay $0x1  }
0x17e: {  	v3 =	vadd.s32 v1, v3;
	_ =	sdelay $0x2  }
0x17f: {  	[tilespmem:s25], [sflag:$0x2] =	stream.indirect_vreg.gather [hbm4b:s2+s3], $0x80, v4, vm0, $0xb8;
	[tilespmem:$0x18400] =	vst v63  }
0x180: {  	_ = 	snop  }
0x181: {  	[tilespmem:s5], [sflag:$0x2] =	stream.indirect_vreg.gather [hbm4b:s2+s3], $0x80, v3, vm0, $0xb8;
	[tilespmem:$0x18400] =	vst v63  }
0x182: {  	v3 =	vld [tilespmem:$0x3B0];
	_ =	sdelay $0x4  }
0x183: {  	v63 =	vshll.u32 v3, $0x1  }
0x184: {  	v3 =	vand.u32 $0x7, v3;
	v4 =	vand.u32 $0xFFFFFFF0, v63  }
0x185: {  	v3 =	vor.u32 v3, v4  }
0x186: {  	v4 =	vperm.xlane v3, v0;
	_ =	sdelay $0x1  }
0x187: {  	v3 =	vperm.xlane v3, v2;
	v4 =	vadd.s32 v1, v4;
	_ =	sdelay $0x1  }
0x188: {  	v3 =	vadd.s32 v1, v3;
	_ =	sdelay $0x2  }
0x189: {  	[tilespmem:s31], [sflag:$0x2] =	stream.indirect_vreg.gather [hbm4b:s2+s3], $0x80, v4, vm0, $0xb8;
	[tilespmem:$0x18400] =	vst v63  }
0x18a: {  	s13 =	simm.s32 $0x3  }
0x18b: {  	[tilespmem:s1], [sflag:$0x2] =	stream.indirect_vreg.gather [hbm4b:s2+s3], $0x80, v3, vm0, $0xb8;
	[tilespmem:$0x18400] =	vst v63  }
0x18c: {  	_ =	swait.ge [sflag:s13], $0x4000  }
0x18d: {  	[sflag:s13] =	ssyncset.done $0x0  }
0x18e: {  	s12 =	simm.s32 $0x4;
	s5 =	rddreg [dreg:$0x7];
	[sflag:s13] =	ssyncadd.s32 $0xFFFFC000  }
0x18f: {  	[hbm4b:s5+s3] =	stream.linear.scatter [tilespmem:s0], [sflag:$0x9], $0x4000, $0x38;
	[tilespmem:$0x18400] =	vst v63  }
0x190: {  	_ =	swait.ge [sflag:s12], $0x4000  }
0x191: {  	[sflag:s12] =	ssyncset.done $0x0  }
0x192: {  	s1 =	simm.s32 $0x5;
	s13 =	rddreg [dreg:$0x8];
	[sflag:s12] =	ssyncadd.s32 $0xFFFFC000  }
0x193: {  	[hbm4b:s13+s3] =	stream.linear.scatter [tilespmem:s7], [sflag:$0xA], $0x4000, $0x38;
	[tilespmem:$0x18400] =	vst v63  }
0x194: {  	_ =	swait.ge [sflag:s1], $0x4000  }
0x195: {  	[sflag:s1] =	ssyncset.done $0x0  }
0x196: {  	s12 =	simm.s32 $0x6;
	s5 =	rddreg [dreg:$0x9];
	[sflag:s1] =	ssyncadd.s32 $0xFFFFC000  }
0x197: {  	[hbm4b:s5+s3] =	stream.linear.scatter [tilespmem:s8], [sflag:$0xB], $0x4000, $0x38;
	[tilespmem:$0x18400] =	vst v63  }
0x198: {  	_ =	swait.ge [sflag:s12], $0x4000  }
0x199: {  	[sflag:s12] =	ssyncset.done $0x0  }
0x19a: {  	s13 =	rddreg [dreg:$0xa];
	[sflag:s12] =	ssyncadd.s32 $0xFFFFC000  }
0x19b: {  	[hbm4b:s13+s3] =	stream.linear.scatter [tilespmem:s9], [sflag:$0xC], $0x4000, $0x38;
	[tilespmem:$0x18400] =	vst v63  }
0x19c: {  	_ =	swait.ge [sflag:s26], $0x4000  }
0x19d: {  	[sflag:s26] =	ssyncset.done $0x0  }
0x19e: {  	s1 =	rddreg [dreg:$0xb];
	[sflag:s26] =	ssyncadd.s32 $0xFFFFC000  }
0x19f: {  	[hbm4b:s1+s3] =	stream.linear.scatter [tilespmem:s6], [sflag:$0x7], $0x4000, $0x38;
	[tilespmem:$0x18400] =	vst v63  }
0x1a0: {  	_ =	swait.ge [sflag:s29], $0x4000  }
0x1a1: {  	[sflag:s29] =	ssyncset.done $0x0  }
0x1a2: {  	s12 =	simm.s32 $0x9;
	s5 =	rddreg [dreg:$0xc];
	[sflag:s29] =	ssyncadd.s32 $0xFFFFC000  }
0x1a3: {  	[hbm4b:s5+s3] =	stream.linear.scatter [tilespmem:s14], [sflag:$0x8], $0x4000, $0x38;
	[tilespmem:$0x18400] =	vst v63  }
0x1a4: {  	_ =	swait.ge [sflag:s12], $0x4000  }
0x1a5: {  	[sflag:s12] =	ssyncset.done $0x0  }
0x1a6: {  	s13 =	simm.s32 $0xA;
	[sflag:s12] =	ssyncadd.s32 $0xFFFFC000  }
0x1a7: {  	_ =	swait.ge [sflag:s13], $0x4000  }
0x1a8: {  	[sflag:s13] =	ssyncset.done $0x0  }
0x1a9: {  	[sflag:s13] =	ssyncadd.s32 $0xFFFFC000  }
0x1aa: {  	_ =	swait.ge [sflag:s10], $0x4000  }
0x1ab: {  	[sflag:s10] =	ssyncset.done $0x0  }
0x1ac: {  	[sflag:s10] =	ssyncadd.s32 $0xFFFFC000  }
0x1ad: {  	_ =	swait.ge [sflag:s11], $0x4000  }
0x1ae: {  	[sflag:s11] =	ssyncset.done $0x0  }
0x1af: {  	[sflag:s11] =	ssyncadd.s32 $0xFFFFC000  }
0x1b0: {  	p0 =	sne.s32 s4, $0x1;
	_ =	swait.ge [sflag:s28], $0x4000  }
.Ltmp0:
0x1b1: {  	[sflag:s28] =	ssyncset.done $0x0;
	(pc) =	sbr.rel @p0 .LBB2_1-.Ltmp0, $4  }
0x1b2: {  	[sflag:s28] =	ssyncadd.s32 $0xFFFFC000  }
0x1b3: {  	_ =	swait.ge [sflag:s30], $0x4000  }
0x1b4: {  	[sflag:s30] =	ssyncset.done $0x0  }
0x1b5: {  	s4 =	sadd.s32 $0xFFFFFFFF, s4;
	[sflag:s30] =	ssyncadd.s32 $0xFFFFC000  }
0x1b6: {  	_ =	sfence.sel $0x180000  }
0x1b7: {  	[bflag:$0x0] =	sbarrier.arrive $0xFFFF  }
0x1b8: {  	_ =	strace $0x90000047  }
0x1b9: {  	s0 =	stileid.u32;
	[bflag:$0x2] =	sbarrier.arrive $0xFFFF  }
0x1ba: {  	p0 =	sne.s32 s0, $0x0;
	s0 =	rddreg [dreg:$0x3]  }
0x1bb: {  	s0 =	sadd.s32 @!p0 $0x100000, s0  }
0x1bc: {  	[sflag:s0] =	ssyncadd.tile.s32 @!p0 $0x1;
	_ =	shalt  }
.Lfunc_end2:
_tile_overlayer_lowered:
.L_overlay_start_2:
0x1bd: {  	(tag) =	ssettag $0x2  }
0x1be: {  	s0 =	rddreg [dreg:$0x0];
	s2 =	stileid.u32  }
0x1bf: {  	s1 =	rddreg [dreg:$0x1];
	p0 =	sne.s32 s2, $0x0  }
0x1c0: {  	s3 =	rddreg [dreg:$0x2];
	[bflag:$0x3] =	sbarrier.arrive $0xFFFF;
	s2 =	simm.s32 @!p0 $0x1C0D  }
0x1c1: {  	[timem:s3], [sflag:s2] =	dma.local @!p0 [hbm:s0], s1  }
0x1c2: {  	s0 =	simm.s32 @!p0 $0xD  }
0x1c3: {  	_ =	swait.ge @!p0 [sflag:s0], s1  }
0x1c4: {  	s1 =	ssub.s32 @!p0 $0x0, s1;
	[sflag:s0] =	ssyncset.done @!p0 $0x0  }
0x1c5: {  	[sflag:s0] =	ssyncadd.s32 @!p0 s1  }
0x1c6: {  	[bflag:$0x3] =	sbarrier.arrive $0xFFFF  }
0x1c7: {  	_ =	shalt  }

</sc_bundles>
